<compile_context>
chip_gen: v7x
topology: tpu7x:2x2x1
jax: 0.10.2.dev20260603
libtpu: 0.0.44.dev20260713+nightly
codegen_flags: <defaults>
</compile_context>

<pallas_src>
import jax
import jax.numpy as jnp
from jax import lax
from jax.experimental import pallas as pl
from jax.experimental.pallas import tpu as pltpu
from jax.experimental.pallas import tpu_sc as plsc

_B, _L = 4096, 50
_NC, _NS, _LANES = 2, 16, 16
_NW = _NC * _NS
_EPW = _B // _NW
_DOUT = 256
_FIX_STARTS = (0, 16, 32, 34)


def _body(idx_id, idx_cat, idx_br, idx_sh, w_id, cat_p, br_p, sh_p, out,
          idv, icat, ibr, ish,
          rid_0, stg_0, rid_1, stg_1, rid_2, stg_2,
          esem, asem, wsem):
    wid = lax.axis_index("s") * _NC + lax.axis_index("c")
    e0 = wid * _EPW
    sets = ((rid_0, stg_0), (rid_1, stg_1), (rid_2, stg_2))

    for ref, idx in ((idv, idx_id), (icat, idx_cat), (ibr, idx_br),
                     (ish, idx_sh)):
        pltpu.sync_copy(idx.at[pl.ds(e0, _EPW), :], ref)

    def start_early(e, s):
        pltpu.async_copy(w_id.at[idv.at[e]], s[0], esem)
        pltpu.async_copy(cat_p.at[icat.at[e]], s[1], esem)

    def wait_early(e, s):
        pltpu.make_async_copy(w_id.at[idv.at[e]], s[0], esem).wait()
        pltpu.make_async_copy(cat_p.at[icat.at[e]], s[1], esem).wait()

    def start_adds(e, s):
        pltpu.async_copy(br_p.at[ibr.at[e]], s[1], asem, add=True)
        pltpu.async_copy(sh_p.at[ish.at[e]], s[1], asem, add=True)

    def wait_adds(e, s):
        pltpu.make_async_copy(br_p.at[ibr.at[e]], s[1], asem).wait()
        pltpu.make_async_copy(sh_p.at[ish.at[e]], s[1], asem).wait()

    def write_descs(e, s):
        return [
            pltpu.make_async_copy(s[0], out.at[e0 + e, :, pl.ds(0, 128)],
                                  wsem),
            pltpu.make_async_copy(s[1], out.at[e0 + e, :, pl.ds(128, 128)],
                                  wsem),
        ]

    def fix_padding(e, s):
        for st in _FIX_STARTS:
            v = idv[e, pl.ds(st, _LANES)]
            m = v == 0
            cnt = jnp.sum(jnp.where(m, 1, 0))

            @pl.when(cnt > 0)
            def _():
                rows = st + lax.iota(jnp.int32, _LANES)
                zeros = jnp.zeros((_LANES,), jnp.float32)

                def fixcol(c, carry):
                    cols = jnp.full((_LANES,), c, jnp.int32)
                    plsc.store_scatter(s[0], [rows, cols], zeros, mask=m)
                    return carry

                lax.fori_loop(0, 128, fixcol, 0)

    def process(e, s_cur, s_nxt, s_prv):
        wait_adds(e, s_cur)

        @pl.when(e + 1 < _EPW)
        def _():
            wait_early(e + 1, s_nxt)
            start_adds(e + 1, s_nxt)

        @pl.when(e >= 1)
        def _():
            for d in write_descs(e - 1, s_prv):
                d.wait()

        @pl.when(e + 2 < _EPW)
        def _():
            start_early(e + 2, s_prv)

        fix_padding(e, s_cur)
        for d in write_descs(e, s_cur):
            d.start()

    start_early(0, sets[0])
    wait_early(0, sets[0])
    start_adds(0, sets[0])
    start_early(1, sets[1])

    def elem(e, carry):
        r = lax.rem(e, 3)
        for k in range(3):
            @pl.when(r == k)
            def _():
                process(e, sets[k], sets[(k + 1) % 3], sets[(k + 2) % 3])
        return carry

    lax.fori_loop(0, _EPW, elem, 0)
    for d in write_descs(_EPW - 1, sets[(_EPW - 1) % 3]):
        d.wait()


_gather = pl.kernel(
    _body,
    out_type=jax.ShapeDtypeStruct((_B, _L, _DOUT), jnp.float32),
    mesh=plsc.VectorSubcoreMesh(core_axis_name="c", subcore_axis_name="s",
                                num_cores=_NC, num_subcores=_NS),
    scratch_types=[
        pltpu.VMEM((_EPW, _L), jnp.int32),
        pltpu.VMEM((_EPW, _L), jnp.int32),
        pltpu.VMEM((_EPW, _L), jnp.int32),
        pltpu.VMEM((_EPW, _L), jnp.int32),
        pltpu.VMEM((_L, 128), jnp.float32),
        pltpu.VMEM((_L, 128), jnp.float32),
        pltpu.VMEM((_L, 128), jnp.float32),
        pltpu.VMEM((_L, 128), jnp.float32),
        pltpu.VMEM((_L, 128), jnp.float32),
        pltpu.VMEM((_L, 128), jnp.float32),
        pltpu.SemaphoreType.DMA,
        pltpu.SemaphoreType.DMA,
        pltpu.SemaphoreType.DMA,
    ],
    compiler_params=pltpu.CompilerParams(needs_layout_passes=False),
)


def kernel(attr_id, attr_category, attr_brand, attr_shop,
           W_id, W_category, W_brand, W_shop):
    cat_p = jnp.pad(W_category, ((0, 0), (0, 96)))
    br_p = jnp.pad(W_brand, ((0, 0), (32, 32)))
    sh_p = jnp.pad(W_shop, ((0, 0), (96, 0)))
    return _gather(attr_id.astype(jnp.int32), attr_category.astype(jnp.int32),
                   attr_brand.astype(jnp.int32), attr_shop.astype(jnp.int32),
                   W_id, cat_p, br_p, sh_p)

# --- scband reference (transcript-rebuilt; emitter-appended) ---
"""Pipeline reference for scband-item-feat-5755256177217 (READ-ONLY COPY).

The authoritative reference and input builder live on the scoring server;
editing this copy changes nothing except your own understanding.
"""

import jax, jax.numpy as jnp
import numpy as np

B, L = 4096, 50
VOCABS = {"id": 100000, "category": 1000, "brand": 100000, "shop": 10000}
DIMS = {"id": 128, "category": 32, "brand": 64, "shop": 32}


def setup_inputs(seed: int = 0) -> dict:
    key = jax.random.key(seed)
    ks = jax.random.split(key, 8)
    inp = {}
    inp["attr_id"] = jax.random.randint(ks[0], (B, L), 0, VOCABS["id"])
    inp["attr_category"] = jax.random.randint(ks[1], (B, L), 0, VOCABS["category"])
    inp["attr_brand"] = jax.random.randint(ks[2], (B, L), 0, VOCABS["brand"])
    inp["attr_shop"] = jax.random.randint(ks[3], (B, L), 0, VOCABS["shop"])
    inp["W_id"] = jax.random.normal(ks[4], (VOCABS["id"], DIMS["id"]), dtype=jnp.float32)
    inp["W_category"] = jax.random.normal(ks[5], (VOCABS["category"], DIMS["category"]), dtype=jnp.float32)
    inp["W_brand"] = jax.random.normal(ks[6], (VOCABS["brand"], DIMS["brand"]), dtype=jnp.float32)
    inp["W_shop"] = jax.random.normal(ks[7], (VOCABS["shop"], DIMS["shop"]), dtype=jnp.float32)
    return inp


def reference(attr_id, attr_category, attr_brand, attr_shop, W_id, W_category, W_brand, W_shop):
    # item 'id' embedding has padding_idx=0 -> row 0 is zeros
    W_id_p = W_id.at[0].set(0.0)
    feats_ls = [
        jnp.take(W_id_p, attr_id, axis=0),
        jnp.take(W_category, attr_category, axis=0),
        jnp.take(W_brand, attr_brand, axis=0),
        jnp.take(W_shop, attr_shop, axis=0),
    ]
    return jnp.concatenate(feats_ls, axis=-1)

if __name__ == "__main__":
    import jax
    _d = setup_inputs()
    print(jax.jit(kernel)(*tuple(_d.values())))

</pallas_src>

<mosaic_0001>
#map = affine_map<(d0, d1) -> (0, 0)>
#map1 = affine_map<(d0, d1) -> (0, 0, 0)>
module attributes {stable_mosaic.version = 14 : i64} {
  func.func @_body(%arg0: i32, %arg1: i32, %arg2: memref<4096x50xi32, #tpu.memory_space<hbm>>, %arg3: memref<4096x50xi32, #tpu.memory_space<hbm>>, %arg4: memref<4096x50xi32, #tpu.memory_space<hbm>>, %arg5: memref<4096x50xi32, #tpu.memory_space<hbm>>, %arg6: memref<100000x128xf32, #tpu.memory_space<hbm>>, %arg7: memref<1000x128xf32, #tpu.memory_space<hbm>>, %arg8: memref<100000x128xf32, #tpu.memory_space<hbm>>, %arg9: memref<10000x128xf32, #tpu.memory_space<hbm>>, %arg10: memref<4096x50x256xf32, #tpu.memory_space<hbm>>, %arg11: memref<128x50xi32, #tpu.memory_space<vmem>>, %arg12: memref<128x50xi32, #tpu.memory_space<vmem>>, %arg13: memref<128x50xi32, #tpu.memory_space<vmem>>, %arg14: memref<128x50xi32, #tpu.memory_space<vmem>>, %arg15: memref<50x128xf32, #tpu.memory_space<vmem>>, %arg16: memref<50x128xf32, #tpu.memory_space<vmem>>, %arg17: memref<50x128xf32, #tpu.memory_space<vmem>>, %arg18: memref<50x128xf32, #tpu.memory_space<vmem>>, %arg19: memref<50x128xf32, #tpu.memory_space<vmem>>, %arg20: memref<50x128xf32, #tpu.memory_space<vmem>>, %arg21: memref<!tpu.dma_semaphore, #tpu.memory_space<semaphore_mem>>, %arg22: memref<!tpu.dma_semaphore, #tpu.memory_space<semaphore_mem>>, %arg23: memref<!tpu.dma_semaphore, #tpu.memory_space<semaphore_mem>>) attributes {dimension_semantics = [#tpu.dimension_semantics<core_parallel>, #tpu.dimension_semantics<subcore_parallel>], iteration_bounds = array<i64: 2, 16>, scalar_prefetch = 0 : i64, scratch_operands = 13 : i64, tpu.core_type = #tpu.core_type<sc_vector_subcore>, window_params = [{transform_indices = #map}, {transform_indices = #map}, {transform_indices = #map}, {transform_indices = #map}, {transform_indices = #map}, {transform_indices = #map}, {transform_indices = #map}, {transform_indices = #map}, {transform_indices = #map1}]} {
    %mul3A = arith.constant 2 : i32
    %mul3A_0 = arith.muli %arg1, %mul3A : i32
    %add3A = arith.addi %mul3A_0, %arg0 : i32
    %mul3A_1 = arith.constant 128 : i32
    %mul3A_2 = arith.muli %add3A, %mul3A_1 : i32
    "tpu.region"() ({
      %run_scoped3A = tpu.sem_alloc : memref<!tpu.dma_semaphore, #tpu.memory_space<semaphore_mem>>
      %dma_start3A_82 = arith.constant 0 : i32
      %dma_start3A_83 = tpu.memref_slice %arg2[%mul3A_2, %dma_start3A_82] : memref<4096x50xi32, #tpu.memory_space<hbm>> -> memref<128x50xi32, #tpu.memory_space<hbm>>
      %dma_start3A_84 = arith.constant 0 : i32
      %dma_start3A_85 = tpu.memref_slice %arg2[%mul3A_2, %dma_start3A_84] : memref<4096x50xi32, #tpu.memory_space<hbm>> -> memref<128x50xi32, #tpu.memory_space<hbm>>
      tpu.enqueue_dma source(%dma_start3A_85 : memref<128x50xi32, #tpu.memory_space<hbm>>) target(%arg11 : memref<128x50xi32, #tpu.memory_space<vmem>>) target_semaphore(%run_scoped3A : memref<!tpu.dma_semaphore, #tpu.memory_space<semaphore_mem>>)
      %dma_wait3A_86 = arith.constant 0 : i32
      %dma_wait3A_87 = tpu.memref_slice %arg2[%mul3A_2, %dma_wait3A_86] : memref<4096x50xi32, #tpu.memory_space<hbm>> -> memref<128x50xi32, #tpu.memory_space<hbm>>
      %dma_wait3A_88 = arith.constant 0 : i32
      %dma_wait3A_89 = tpu.memref_slice %arg2[%mul3A_2, %dma_wait3A_88] : memref<4096x50xi32, #tpu.memory_space<hbm>> -> memref<128x50xi32, #tpu.memory_space<hbm>>
      tpu.wait_dma2 semaphore(%run_scoped3A : memref<!tpu.dma_semaphore, #tpu.memory_space<semaphore_mem>>) src(%dma_wait3A_89 : memref<128x50xi32, #tpu.memory_space<hbm>>) dst(%arg11 : memref<128x50xi32, #tpu.memory_space<vmem>>)
      tpu.yield
    }) : () -> ()
    "tpu.region"() ({
      %run_scoped3A = tpu.sem_alloc : memref<!tpu.dma_semaphore, #tpu.memory_space<semaphore_mem>>
      %dma_start3A_82 = arith.constant 0 : i32
      %dma_start3A_83 = tpu.memref_slice %arg3[%mul3A_2, %dma_start3A_82] : memref<4096x50xi32, #tpu.memory_space<hbm>> -> memref<128x50xi32, #tpu.memory_space<hbm>>
      %dma_start3A_84 = arith.constant 0 : i32
      %dma_start3A_85 = tpu.memref_slice %arg3[%mul3A_2, %dma_start3A_84] : memref<4096x50xi32, #tpu.memory_space<hbm>> -> memref<128x50xi32, #tpu.memory_space<hbm>>
      tpu.enqueue_dma source(%dma_start3A_85 : memref<128x50xi32, #tpu.memory_space<hbm>>) target(%arg12 : memref<128x50xi32, #tpu.memory_space<vmem>>) target_semaphore(%run_scoped3A : memref<!tpu.dma_semaphore, #tpu.memory_space<semaphore_mem>>)
      %dma_wait3A_86 = arith.constant 0 : i32
      %dma_wait3A_87 = tpu.memref_slice %arg3[%mul3A_2, %dma_wait3A_86] : memref<4096x50xi32, #tpu.memory_space<hbm>> -> memref<128x50xi32, #tpu.memory_space<hbm>>
      %dma_wait3A_88 = arith.constant 0 : i32
      %dma_wait3A_89 = tpu.memref_slice %arg3[%mul3A_2, %dma_wait3A_88] : memref<4096x50xi32, #tpu.memory_space<hbm>> -> memref<128x50xi32, #tpu.memory_space<hbm>>
      tpu.wait_dma2 semaphore(%run_scoped3A : memref<!tpu.dma_semaphore, #tpu.memory_space<semaphore_mem>>) src(%dma_wait3A_89 : memref<128x50xi32, #tpu.memory_space<hbm>>) dst(%arg12 : memref<128x50xi32, #tpu.memory_space<vmem>>)
      tpu.yield
    }) : () -> ()
    "tpu.region"() ({
      %run_scoped3A = tpu.sem_alloc : memref<!tpu.dma_semaphore, #tpu.memory_space<semaphore_mem>>
      %dma_start3A_82 = arith.constant 0 : i32
      %dma_start3A_83 = tpu.memref_slice %arg4[%mul3A_2, %dma_start3A_82] : memref<4096x50xi32, #tpu.memory_space<hbm>> -> memref<128x50xi32, #tpu.memory_space<hbm>>
      %dma_start3A_84 = arith.constant 0 : i32
      %dma_start3A_85 = tpu.memref_slice %arg4[%mul3A_2, %dma_start3A_84] : memref<4096x50xi32, #tpu.memory_space<hbm>> -> memref<128x50xi32, #tpu.memory_space<hbm>>
      tpu.enqueue_dma source(%dma_start3A_85 : memref<128x50xi32, #tpu.memory_space<hbm>>) target(%arg13 : memref<128x50xi32, #tpu.memory_space<vmem>>) target_semaphore(%run_scoped3A : memref<!tpu.dma_semaphore, #tpu.memory_space<semaphore_mem>>)
      %dma_wait3A_86 = arith.constant 0 : i32
      %dma_wait3A_87 = tpu.memref_slice %arg4[%mul3A_2, %dma_wait3A_86] : memref<4096x50xi32, #tpu.memory_space<hbm>> -> memref<128x50xi32, #tpu.memory_space<hbm>>
      %dma_wait3A_88 = arith.constant 0 : i32
      %dma_wait3A_89 = tpu.memref_slice %arg4[%mul3A_2, %dma_wait3A_88] : memref<4096x50xi32, #tpu.memory_space<hbm>> -> memref<128x50xi32, #tpu.memory_space<hbm>>
      tpu.wait_dma2 semaphore(%run_scoped3A : memref<!tpu.dma_semaphore, #tpu.memory_space<semaphore_mem>>) src(%dma_wait3A_89 : memref<128x50xi32, #tpu.memory_space<hbm>>) dst(%arg13 : memref<128x50xi32, #tpu.memory_space<vmem>>)
      tpu.yield
    }) : () -> ()
    "tpu.region"() ({
      %run_scoped3A = tpu.sem_alloc : memref<!tpu.dma_semaphore, #tpu.memory_space<semaphore_mem>>
      %dma_start3A_82 = arith.constant 0 : i32
      %dma_start3A_83 = tpu.memref_slice %arg5[%mul3A_2, %dma_start3A_82] : memref<4096x50xi32, #tpu.memory_space<hbm>> -> memref<128x50xi32, #tpu.memory_space<hbm>>
      %dma_start3A_84 = arith.constant 0 : i32
      %dma_start3A_85 = tpu.memref_slice %arg5[%mul3A_2, %dma_start3A_84] : memref<4096x50xi32, #tpu.memory_space<hbm>> -> memref<128x50xi32, #tpu.memory_space<hbm>>
      tpu.enqueue_dma source(%dma_start3A_85 : memref<128x50xi32, #tpu.memory_space<hbm>>) target(%arg14 : memref<128x50xi32, #tpu.memory_space<vmem>>) target_semaphore(%run_scoped3A : memref<!tpu.dma_semaphore, #tpu.memory_space<semaphore_mem>>)
      %dma_wait3A_86 = arith.constant 0 : i32
      %dma_wait3A_87 = tpu.memref_slice %arg5[%mul3A_2, %dma_wait3A_86] : memref<4096x50xi32, #tpu.memory_space<hbm>> -> memref<128x50xi32, #tpu.memory_space<hbm>>
      %dma_wait3A_88 = arith.constant 0 : i32
      %dma_wait3A_89 = tpu.memref_slice %arg5[%mul3A_2, %dma_wait3A_88] : memref<4096x50xi32, #tpu.memory_space<hbm>> -> memref<128x50xi32, #tpu.memory_space<hbm>>
      tpu.wait_dma2 semaphore(%run_scoped3A : memref<!tpu.dma_semaphore, #tpu.memory_space<semaphore_mem>>) src(%dma_wait3A_89 : memref<128x50xi32, #tpu.memory_space<hbm>>) dst(%arg14 : memref<128x50xi32, #tpu.memory_space<vmem>>)
      tpu.yield
    }) : () -> ()
    %dma_start3A = arith.constant 0 : i32
    %dma_start3A_3 = arith.constant 0 : i32
    %dma_start3A_4 = tpu.memref_slice %arg11[%dma_start3A, %dma_start3A_3] : memref<128x50xi32, #tpu.memory_space<vmem>> -> memref<1x50xi32, #tpu.memory_space<vmem>>
    %dma_start3A_5 = tpu.memref_squeeze %dma_start3A_4 : memref<1x50xi32, #tpu.memory_space<vmem>> -> memref<50xi32, #tpu.memory_space<vmem>>
    %dma_start3A_6 = arith.constant 0 : i32
    %dma_start3A_7 = arith.constant 0 : i32
    %dma_start3A_8 = tpu.memref_slice %arg6[%dma_start3A_6, %dma_start3A_7] : memref<100000x128xf32, #tpu.memory_space<hbm>> -> memref<100000x128xf32, #tpu.memory_space<hbm>>
    tpu.enqueue_indirect_dma source(%dma_start3A_8 : memref<100000x128xf32, #tpu.memory_space<hbm>>) target(%arg15 : memref<50x128xf32, #tpu.memory_space<vmem>>) offsets(%dma_start3A_5 : memref<50xi32, #tpu.memory_space<vmem>>) semaphore(%arg21 : memref<!tpu.dma_semaphore, #tpu.memory_space<semaphore_mem>>)
    %dma_start3A_9 = arith.constant 0 : i32
    %dma_start3A_10 = arith.constant 0 : i32
    %dma_start3A_11 = tpu.memref_slice %arg12[%dma_start3A_9, %dma_start3A_10] : memref<128x50xi32, #tpu.memory_space<vmem>> -> memref<1x50xi32, #tpu.memory_space<vmem>>
    %dma_start3A_12 = tpu.memref_squeeze %dma_start3A_11 : memref<1x50xi32, #tpu.memory_space<vmem>> -> memref<50xi32, #tpu.memory_space<vmem>>
    %dma_start3A_13 = arith.constant 0 : i32
    %dma_start3A_14 = arith.constant 0 : i32
    %dma_start3A_15 = tpu.memref_slice %arg7[%dma_start3A_13, %dma_start3A_14] : memref<1000x128xf32, #tpu.memory_space<hbm>> -> memref<1000x128xf32, #tpu.memory_space<hbm>>
    tpu.enqueue_indirect_dma source(%dma_start3A_15 : memref<1000x128xf32, #tpu.memory_space<hbm>>) target(%arg16 : memref<50x128xf32, #tpu.memory_space<vmem>>) offsets(%dma_start3A_12 : memref<50xi32, #tpu.memory_space<vmem>>) semaphore(%arg21 : memref<!tpu.dma_semaphore, #tpu.memory_space<semaphore_mem>>)
    %dma_wait3A = arith.constant 0 : i32
    %dma_wait3A_16 = arith.constant 0 : i32
    %dma_wait3A_17 = tpu.memref_slice %arg11[%dma_wait3A, %dma_wait3A_16] : memref<128x50xi32, #tpu.memory_space<vmem>> -> memref<1x50xi32, #tpu.memory_space<vmem>>
    %dma_wait3A_18 = tpu.memref_squeeze %dma_wait3A_17 : memref<1x50xi32, #tpu.memory_space<vmem>> -> memref<50xi32, #tpu.memory_space<vmem>>
    %dma_wait3A_19 = arith.constant 0 : i32
    %dma_wait3A_20 = arith.constant 0 : i32
    %dma_wait3A_21 = tpu.memref_slice %arg6[%dma_wait3A_19, %dma_wait3A_20] : memref<100000x128xf32, #tpu.memory_space<hbm>> -> memref<100000x128xf32, #tpu.memory_space<hbm>>
    tpu.wait_indirect_dma semaphore(%arg21 : memref<!tpu.dma_semaphore, #tpu.memory_space<semaphore_mem>>) src(%dma_wait3A_21 : memref<100000x128xf32, #tpu.memory_space<hbm>>) dst(%arg15 : memref<50x128xf32, #tpu.memory_space<vmem>>)
    %dma_wait3A_22 = arith.constant 0 : i32
    %dma_wait3A_23 = arith.constant 0 : i32
    %dma_wait3A_24 = tpu.memref_slice %arg12[%dma_wait3A_22, %dma_wait3A_23] : memref<128x50xi32, #tpu.memory_space<vmem>> -> memref<1x50xi32, #tpu.memory_space<vmem>>
    %dma_wait3A_25 = tpu.memref_squeeze %dma_wait3A_24 : memref<1x50xi32, #tpu.memory_space<vmem>> -> memref<50xi32, #tpu.memory_space<vmem>>
    %dma_wait3A_26 = arith.constant 0 : i32
    %dma_wait3A_27 = arith.constant 0 : i32
    %dma_wait3A_28 = tpu.memref_slice %arg7[%dma_wait3A_26, %dma_wait3A_27] : memref<1000x128xf32, #tpu.memory_space<hbm>> -> memref<1000x128xf32, #tpu.memory_space<hbm>>
    tpu.wait_indirect_dma semaphore(%arg21 : memref<!tpu.dma_semaphore, #tpu.memory_space<semaphore_mem>>) src(%dma_wait3A_28 : memref<1000x128xf32, #tpu.memory_space<hbm>>) dst(%arg16 : memref<50x128xf32, #tpu.memory_space<vmem>>)
    %dma_start3A_29 = arith.constant 0 : i32
    %dma_start3A_30 = arith.constant 0 : i32
    %dma_start3A_31 = tpu.memref_slice %arg13[%dma_start3A_29, %dma_start3A_30] : memref<128x50xi32, #tpu.memory_space<vmem>> -> memref<1x50xi32, #tpu.memory_space<vmem>>
    %dma_start3A_32 = tpu.memref_squeeze %dma_start3A_31 : memref<1x50xi32, #tpu.memory_space<vmem>> -> memref<50xi32, #tpu.memory_space<vmem>>
    %dma_start3A_33 = arith.constant 0 : i32
    %dma_start3A_34 = arith.constant 0 : i32
    %dma_start3A_35 = tpu.memref_slice %arg8[%dma_start3A_33, %dma_start3A_34] : memref<100000x128xf32, #tpu.memory_space<hbm>> -> memref<100000x128xf32, #tpu.memory_space<hbm>>
    tpu.enqueue_indirect_dma source(%dma_start3A_35 : memref<100000x128xf32, #tpu.memory_space<hbm>>) target(%arg16 : memref<50x128xf32, #tpu.memory_space<vmem>>) offsets(%dma_start3A_32 : memref<50xi32, #tpu.memory_space<vmem>>) semaphore(%arg22 : memref<!tpu.dma_semaphore, #tpu.memory_space<semaphore_mem>>) {add = true}
    %dma_start3A_36 = arith.constant 0 : i32
    %dma_start3A_37 = arith.constant 0 : i32
    %dma_start3A_38 = tpu.memref_slice %arg14[%dma_start3A_36, %dma_start3A_37] : memref<128x50xi32, #tpu.memory_space<vmem>> -> memref<1x50xi32, #tpu.memory_space<vmem>>
    %dma_start3A_39 = tpu.memref_squeeze %dma_start3A_38 : memref<1x50xi32, #tpu.memory_space<vmem>> -> memref<50xi32, #tpu.memory_space<vmem>>
    %dma_start3A_40 = arith.constant 0 : i32
    %dma_start3A_41 = arith.constant 0 : i32
    %dma_start3A_42 = tpu.memref_slice %arg9[%dma_start3A_40, %dma_start3A_41] : memref<10000x128xf32, #tpu.memory_space<hbm>> -> memref<10000x128xf32, #tpu.memory_space<hbm>>
    tpu.enqueue_indirect_dma source(%dma_start3A_42 : memref<10000x128xf32, #tpu.memory_space<hbm>>) target(%arg16 : memref<50x128xf32, #tpu.memory_space<vmem>>) offsets(%dma_start3A_39 : memref<50xi32, #tpu.memory_space<vmem>>) semaphore(%arg22 : memref<!tpu.dma_semaphore, #tpu.memory_space<semaphore_mem>>) {add = true}
    %dma_start3A_43 = arith.constant 1 : i32
    %dma_start3A_44 = arith.constant 0 : i32
    %dma_start3A_45 = tpu.memref_slice %arg11[%dma_start3A_43, %dma_start3A_44] : memref<128x50xi32, #tpu.memory_space<vmem>> -> memref<1x50xi32, #tpu.memory_space<vmem>>
    %dma_start3A_46 = tpu.memref_squeeze %dma_start3A_45 : memref<1x50xi32, #tpu.memory_space<vmem>> -> memref<50xi32, #tpu.memory_space<vmem>>
    %dma_start3A_47 = arith.constant 0 : i32
    %dma_start3A_48 = arith.constant 0 : i32
    %dma_start3A_49 = tpu.memref_slice %arg6[%dma_start3A_47, %dma_start3A_48] : memref<100000x128xf32, #tpu.memory_space<hbm>> -> memref<100000x128xf32, #tpu.memory_space<hbm>>
    tpu.enqueue_indirect_dma source(%dma_start3A_49 : memref<100000x128xf32, #tpu.memory_space<hbm>>) target(%arg17 : memref<50x128xf32, #tpu.memory_space<vmem>>) offsets(%dma_start3A_46 : memref<50xi32, #tpu.memory_space<vmem>>) semaphore(%arg21 : memref<!tpu.dma_semaphore, #tpu.memory_space<semaphore_mem>>)
    %dma_start3A_50 = arith.constant 1 : i32
    %dma_start3A_51 = arith.constant 0 : i32
    %dma_start3A_52 = tpu.memref_slice %arg12[%dma_start3A_50, %dma_start3A_51] : memref<128x50xi32, #tpu.memory_space<vmem>> -> memref<1x50xi32, #tpu.memory_space<vmem>>
    %dma_start3A_53 = tpu.memref_squeeze %dma_start3A_52 : memref<1x50xi32, #tpu.memory_space<vmem>> -> memref<50xi32, #tpu.memory_space<vmem>>
    %dma_start3A_54 = arith.constant 0 : i32
    %dma_start3A_55 = arith.constant 0 : i32
    %dma_start3A_56 = tpu.memref_slice %arg7[%dma_start3A_54, %dma_start3A_55] : memref<1000x128xf32, #tpu.memory_space<hbm>> -> memref<1000x128xf32, #tpu.memory_space<hbm>>
    tpu.enqueue_indirect_dma source(%dma_start3A_56 : memref<1000x128xf32, #tpu.memory_space<hbm>>) target(%arg18 : memref<50x128xf32, #tpu.memory_space<vmem>>) offsets(%dma_start3A_53 : memref<50xi32, #tpu.memory_space<vmem>>) semaphore(%arg21 : memref<!tpu.dma_semaphore, #tpu.memory_space<semaphore_mem>>)
    %scan3A = arith.constant 0 : i32
    %scan3A_57 = arith.constant 0 : i32
    %scan3A_58 = arith.constant 128 : i32
    %scan3A_59 = arith.addi %scan3A_57, %scan3A_58 : i32
    %scan3A_60 = arith.constant 1 : i32
    scf.for %scan3A_82 = %scan3A_57 to %scan3A_59 step %scan3A_60  : i32 {
      %rem3A = arith.constant 3 : i32
      %rem3A_83 = arith.remsi %scan3A_82, %rem3A : i32
      %eq3A = arith.constant 0 : i32
      %eq3A_84 = arith.cmpi eq, %rem3A_83, %eq3A : i32
      %convert_element_type3A = arith.extui %eq3A_84 : i1 to i32
      %cond3A = arith.constant 0 : i32
      %cond3A_85 = arith.cmpi ne, %convert_element_type3A, %cond3A : i32
      scf.if %cond3A_85 {
        %dma_wait3A_96 = arith.constant 0 : i32
        %dma_wait3A_97 = tpu.memref_slice %arg13[%scan3A_82, %dma_wait3A_96] : memref<128x50xi32, #tpu.memory_space<vmem>> -> memref<1x50xi32, #tpu.memory_space<vmem>>
        %dma_wait3A_98 = tpu.memref_squeeze %dma_wait3A_97 : memref<1x50xi32, #tpu.memory_space<vmem>> -> memref<50xi32, #tpu.memory_space<vmem>>
        %dma_wait3A_99 = arith.constant 0 : i32
        %dma_wait3A_100 = arith.constant 0 : i32
        %dma_wait3A_101 = tpu.memref_slice %arg8[%dma_wait3A_99, %dma_wait3A_100] : memref<100000x128xf32, #tpu.memory_space<hbm>> -> memref<100000x128xf32, #tpu.memory_space<hbm>>
        tpu.wait_indirect_dma semaphore(%arg22 : memref<!tpu.dma_semaphore, #tpu.memory_space<semaphore_mem>>) src(%dma_wait3A_101 : memref<100000x128xf32, #tpu.memory_space<hbm>>) dst(%arg16 : memref<50x128xf32, #tpu.memory_space<vmem>>)
        %dma_wait3A_102 = arith.constant 0 : i32
        %dma_wait3A_103 = tpu.memref_slice %arg14[%scan3A_82, %dma_wait3A_102] : memref<128x50xi32, #tpu.memory_space<vmem>> -> memref<1x50xi32, #tpu.memory_space<vmem>>
        %dma_wait3A_104 = tpu.memref_squeeze %dma_wait3A_103 : memref<1x50xi32, #tpu.memory_space<vmem>> -> memref<50xi32, #tpu.memory_space<vmem>>
        %dma_wait3A_105 = arith.constant 0 : i32
        %dma_wait3A_106 = arith.constant 0 : i32
        %dma_wait3A_107 = tpu.memref_slice %arg9[%dma_wait3A_105, %dma_wait3A_106] : memref<10000x128xf32, #tpu.memory_space<hbm>> -> memref<10000x128xf32, #tpu.memory_space<hbm>>
        tpu.wait_indirect_dma semaphore(%arg22 : memref<!tpu.dma_semaphore, #tpu.memory_space<semaphore_mem>>) src(%dma_wait3A_107 : memref<10000x128xf32, #tpu.memory_space<hbm>>) dst(%arg16 : memref<50x128xf32, #tpu.memory_space<vmem>>)
        %add3A_108 = arith.constant 1 : i32
        %add3A_109 = arith.addi %scan3A_82, %add3A_108 : i32
        %lt3A = arith.constant 128 : i32
        %lt3A_110 = arith.cmpi slt, %add3A_109, %lt3A : i32
        %convert_element_type3A_111 = arith.extui %lt3A_110 : i1 to i32
        %cond3A_112 = arith.constant 0 : i32
        %cond3A_113 = arith.cmpi ne, %convert_element_type3A_111, %cond3A_112 : i32
        scf.if %cond3A_113 {
          %add3A_217 = arith.constant 1 : i32
          %add3A_218 = arith.addi %scan3A_82, %add3A_217 : i32
          %dma_wait3A_219 = arith.constant 0 : i32
          %dma_wait3A_220 = tpu.memref_slice %arg11[%add3A_218, %dma_wait3A_219] : memref<128x50xi32, #tpu.memory_space<vmem>> -> memref<1x50xi32, #tpu.memory_space<vmem>>
          %dma_wait3A_221 = tpu.memref_squeeze %dma_wait3A_220 : memref<1x50xi32, #tpu.memory_space<vmem>> -> memref<50xi32, #tpu.memory_space<vmem>>
          %dma_wait3A_222 = arith.constant 0 : i32
          %dma_wait3A_223 = arith.constant 0 : i32
          %dma_wait3A_224 = tpu.memref_slice %arg6[%dma_wait3A_222, %dma_wait3A_223] : memref<100000x128xf32, #tpu.memory_space<hbm>> -> memref<100000x128xf32, #tpu.memory_space<hbm>>
          tpu.wait_indirect_dma semaphore(%arg21 : memref<!tpu.dma_semaphore, #tpu.memory_space<semaphore_mem>>) src(%dma_wait3A_224 : memref<100000x128xf32, #tpu.memory_space<hbm>>) dst(%arg17 : memref<50x128xf32, #tpu.memory_space<vmem>>)
          %dma_wait3A_225 = arith.constant 0 : i32
          %dma_wait3A_226 = tpu.memref_slice %arg12[%add3A_218, %dma_wait3A_225] : memref<128x50xi32, #tpu.memory_space<vmem>> -> memref<1x50xi32, #tpu.memory_space<vmem>>
          %dma_wait3A_227 = tpu.memref_squeeze %dma_wait3A_226 : memref<1x50xi32, #tpu.memory_space<vmem>> -> memref<50xi32, #tpu.memory_space<vmem>>
          %dma_wait3A_228 = arith.constant 0 : i32
          %dma_wait3A_229 = arith.constant 0 : i32
          %dma_wait3A_230 = tpu.memref_slice %arg7[%dma_wait3A_228, %dma_wait3A_229] : memref<1000x128xf32, #tpu.memory_space<hbm>> -> memref<1000x128xf32, #tpu.memory_space<hbm>>
          tpu.wait_indirect_dma semaphore(%arg21 : memref<!tpu.dma_semaphore, #tpu.memory_space<semaphore_mem>>) src(%dma_wait3A_230 : memref<1000x128xf32, #tpu.memory_space<hbm>>) dst(%arg18 : memref<50x128xf32, #tpu.memory_space<vmem>>)
          %add3A_231 = arith.constant 1 : i32
          %add3A_232 = arith.addi %scan3A_82, %add3A_231 : i32
          %dma_start3A_233 = arith.constant 0 : i32
          %dma_start3A_234 = tpu.memref_slice %arg13[%add3A_232, %dma_start3A_233] : memref<128x50xi32, #tpu.memory_space<vmem>> -> memref<1x50xi32, #tpu.memory_space<vmem>>
          %dma_start3A_235 = tpu.memref_squeeze %dma_start3A_234 : memref<1x50xi32, #tpu.memory_space<vmem>> -> memref<50xi32, #tpu.memory_space<vmem>>
          %dma_start3A_236 = arith.constant 0 : i32
          %dma_start3A_237 = arith.constant 0 : i32
          %dma_start3A_238 = tpu.memref_slice %arg8[%dma_start3A_236, %dma_start3A_237] : memref<100000x128xf32, #tpu.memory_space<hbm>> -> memref<100000x128xf32, #tpu.memory_space<hbm>>
          tpu.enqueue_indirect_dma source(%dma_start3A_238 : memref<100000x128xf32, #tpu.memory_space<hbm>>) target(%arg18 : memref<50x128xf32, #tpu.memory_space<vmem>>) offsets(%dma_start3A_235 : memref<50xi32, #tpu.memory_space<vmem>>) semaphore(%arg22 : memref<!tpu.dma_semaphore, #tpu.memory_space<semaphore_mem>>) {add = true}
          %dma_start3A_239 = arith.constant 0 : i32
          %dma_start3A_240 = tpu.memref_slice %arg14[%add3A_232, %dma_start3A_239] : memref<128x50xi32, #tpu.memory_space<vmem>> -> memref<1x50xi32, #tpu.memory_space<vmem>>
          %dma_start3A_241 = tpu.memref_squeeze %dma_start3A_240 : memref<1x50xi32, #tpu.memory_space<vmem>> -> memref<50xi32, #tpu.memory_space<vmem>>
          %dma_start3A_242 = arith.constant 0 : i32
          %dma_start3A_243 = arith.constant 0 : i32
          %dma_start3A_244 = tpu.memref_slice %arg9[%dma_start3A_242, %dma_start3A_243] : memref<10000x128xf32, #tpu.memory_space<hbm>> -> memref<10000x128xf32, #tpu.memory_space<hbm>>
          tpu.enqueue_indirect_dma source(%dma_start3A_244 : memref<10000x128xf32, #tpu.memory_space<hbm>>) target(%arg18 : memref<50x128xf32, #tpu.memory_space<vmem>>) offsets(%dma_start3A_241 : memref<50xi32, #tpu.memory_space<vmem>>) semaphore(%arg22 : memref<!tpu.dma_semaphore, #tpu.memory_space<semaphore_mem>>) {add = true}
        } else {
        }
        %ge3A = arith.constant 1 : i32
        %ge3A_114 = arith.cmpi sge, %scan3A_82, %ge3A : i32
        %convert_element_type3A_115 = arith.extui %ge3A_114 : i1 to i32
        %cond3A_116 = arith.constant 0 : i32
        %cond3A_117 = arith.cmpi ne, %convert_element_type3A_115, %cond3A_116 : i32
        scf.if %cond3A_117 {
          %sub3A = arith.constant 1 : i32
          %sub3A_217 = arith.subi %scan3A_82, %sub3A : i32
          %add3A_218 = arith.addi %mul3A_2, %sub3A_217 : i32
          %add3A_219 = arith.addi %mul3A_2, %sub3A_217 : i32
          %dma_wait3A_220 = arith.constant 0 : i32
          %dma_wait3A_221 = arith.constant 0 : i32
          %dma_wait3A_222 = tpu.memref_slice %arg10[%add3A_218, %dma_wait3A_220, %dma_wait3A_221] : memref<4096x50x256xf32, #tpu.memory_space<hbm>> -> memref<1x50x128xf32, #tpu.memory_space<hbm>>
          %dma_wait3A_223 = tpu.memref_squeeze %dma_wait3A_222 : memref<1x50x128xf32, #tpu.memory_space<hbm>> -> memref<50x128xf32, #tpu.memory_space<hbm>>
          %dma_wait3A_224 = arith.constant 0 : i32
          %dma_wait3A_225 = arith.constant 0 : i32
          %dma_wait3A_226 = tpu.memref_slice %arg10[%add3A_218, %dma_wait3A_224, %dma_wait3A_225] : memref<4096x50x256xf32, #tpu.memory_space<hbm>> -> memref<1x50x128xf32, #tpu.memory_space<hbm>>
          %dma_wait3A_227 = tpu.memref_squeeze %dma_wait3A_226 : memref<1x50x128xf32, #tpu.memory_space<hbm>> -> memref<50x128xf32, #tpu.memory_space<hbm>>
          tpu.wait_dma2 semaphore(%arg23 : memref<!tpu.dma_semaphore, #tpu.memory_space<semaphore_mem>>) src(%arg19 : memref<50x128xf32, #tpu.memory_space<vmem>>) dst(%dma_wait3A_227 : memref<50x128xf32, #tpu.memory_space<hbm>>)
          %dma_wait3A_228 = arith.constant 0 : i32
          %dma_wait3A_229 = arith.constant 128 : i32
          %dma_wait3A_230 = tpu.memref_slice %arg10[%add3A_219, %dma_wait3A_228, %dma_wait3A_229] : memref<4096x50x256xf32, #tpu.memory_space<hbm>> -> memref<1x50x128xf32, #tpu.memory_space<hbm>>
          %dma_wait3A_231 = tpu.memref_squeeze %dma_wait3A_230 : memref<1x50x128xf32, #tpu.memory_space<hbm>> -> memref<50x128xf32, #tpu.memory_space<hbm>>
          %dma_wait3A_232 = arith.constant 0 : i32
          %dma_wait3A_233 = arith.constant 128 : i32
          %dma_wait3A_234 = tpu.memref_slice %arg10[%add3A_219, %dma_wait3A_232, %dma_wait3A_233] : memref<4096x50x256xf32, #tpu.memory_space<hbm>> -> memref<1x50x128xf32, #tpu.memory_space<hbm>>
          %dma_wait3A_235 = tpu.memref_squeeze %dma_wait3A_234 : memref<1x50x128xf32, #tpu.memory_space<hbm>> -> memref<50x128xf32, #tpu.memory_space<hbm>>
          tpu.wait_dma2 semaphore(%arg23 : memref<!tpu.dma_semaphore, #tpu.memory_space<semaphore_mem>>) src(%arg20 : memref<50x128xf32, #tpu.memory_space<vmem>>) dst(%dma_wait3A_235 : memref<50x128xf32, #tpu.memory_space<hbm>>)
        } else {
        }
        %add3A_118 = arith.constant 2 : i32
        %add3A_119 = arith.addi %scan3A_82, %add3A_118 : i32
        %lt3A_120 = arith.constant 128 : i32
        %lt3A_121 = arith.cmpi slt, %add3A_119, %lt3A_120 : i32
        %convert_element_type3A_122 = arith.extui %lt3A_121 : i1 to i32
        %cond3A_123 = arith.constant 0 : i32
        %cond3A_124 = arith.cmpi ne, %convert_element_type3A_122, %cond3A_123 : i32
        scf.if %cond3A_124 {
          %add3A_217 = arith.constant 2 : i32
          %add3A_218 = arith.addi %scan3A_82, %add3A_217 : i32
          %dma_start3A_219 = arith.constant 0 : i32
          %dma_start3A_220 = tpu.memref_slice %arg11[%add3A_218, %dma_start3A_219] : memref<128x50xi32, #tpu.memory_space<vmem>> -> memref<1x50xi32, #tpu.memory_space<vmem>>
          %dma_start3A_221 = tpu.memref_squeeze %dma_start3A_220 : memref<1x50xi32, #tpu.memory_space<vmem>> -> memref<50xi32, #tpu.memory_space<vmem>>
          %dma_start3A_222 = arith.constant 0 : i32
          %dma_start3A_223 = arith.constant 0 : i32
          %dma_start3A_224 = tpu.memref_slice %arg6[%dma_start3A_222, %dma_start3A_223] : memref<100000x128xf32, #tpu.memory_space<hbm>> -> memref<100000x128xf32, #tpu.memory_space<hbm>>
          tpu.enqueue_indirect_dma source(%dma_start3A_224 : memref<100000x128xf32, #tpu.memory_space<hbm>>) target(%arg19 : memref<50x128xf32, #tpu.memory_space<vmem>>) offsets(%dma_start3A_221 : memref<50xi32, #tpu.memory_space<vmem>>) semaphore(%arg21 : memref<!tpu.dma_semaphore, #tpu.memory_space<semaphore_mem>>)
          %dma_start3A_225 = arith.constant 0 : i32
          %dma_start3A_226 = tpu.memref_slice %arg12[%add3A_218, %dma_start3A_225] : memref<128x50xi32, #tpu.memory_space<vmem>> -> memref<1x50xi32, #tpu.memory_space<vmem>>
          %dma_start3A_227 = tpu.memref_squeeze %dma_start3A_226 : memref<1x50xi32, #tpu.memory_space<vmem>> -> memref<50xi32, #tpu.memory_space<vmem>>
          %dma_start3A_228 = arith.constant 0 : i32
          %dma_start3A_229 = arith.constant 0 : i32
          %dma_start3A_230 = tpu.memref_slice %arg7[%dma_start3A_228, %dma_start3A_229] : memref<1000x128xf32, #tpu.memory_space<hbm>> -> memref<1000x128xf32, #tpu.memory_space<hbm>>
          tpu.enqueue_indirect_dma source(%dma_start3A_230 : memref<1000x128xf32, #tpu.memory_space<hbm>>) target(%arg20 : memref<50x128xf32, #tpu.memory_space<vmem>>) offsets(%dma_start3A_227 : memref<50xi32, #tpu.memory_space<vmem>>) semaphore(%arg21 : memref<!tpu.dma_semaphore, #tpu.memory_space<semaphore_mem>>)
        } else {
        }
        %get3A = arith.index_cast %scan3A_82 : i32 to index
        %get3A_125 = arith.constant 0 : index
        %get3A_126 = tpu.vector_load %arg11[%get3A, %get3A_125] {strides = array<i32>} : memref<128x50xi32, #tpu.memory_space<vmem>>, vector<16xi32>,
        %eq3A_127 = arith.constant 0 : i32
        %eq3A_128 = vector.broadcast %eq3A_127 : i32 to vector<16xi32>
        %eq3A_129 = arith.cmpi eq, %get3A_126, %eq3A_128 : vector<16xi32>
        %jit3A = arith.constant 1 : i32
        %jit3A_130 = arith.constant 0 : i32
        %broadcast_in_dim3A = vector.broadcast %jit3A : i32 to vector<16xi32>
        %broadcast_in_dim3A_131 = vector.broadcast %jit3A_130 : i32 to vector<16xi32>
        %select_n3A = arith.select %eq3A_129, %broadcast_in_dim3A, %broadcast_in_dim3A_131 : vector<16xi1>, vector<16xi32>
        %reduce_sum3A = arith.constant true
        %reduce_sum3A_132 = vector.broadcast %reduce_sum3A : i1 to vector<16xi1>
        %reduce_sum3A_133 = tpu.scan <sum>, %select_n3A masked %reduce_sum3A_132 : vector<16xi32>, vector<16xi1> -> vector<16xi32>
        %reduce_sum3A_134 = vector.extract %reduce_sum3A_133[15] : i32 from vector<16xi32>
        %gt3A = arith.constant 0 : i32
        %gt3A_135 = arith.cmpi sgt, %reduce_sum3A_134, %gt3A : i32
        %convert_element_type3A_136 = arith.extui %gt3A_135 : i1 to i32
        %cond3A_137 = arith.constant 0 : i32
        %cond3A_138 = arith.cmpi ne, %convert_element_type3A_136, %cond3A_137 : i32
        scf.if %cond3A_138 {
          %iota3A = tpu.iota {dimensions = array<i32: 0>} : vector<16xi32>
          %add3A_217 = arith.constant 0 : i32
          %add3A_218 = vector.broadcast %add3A_217 : i32 to vector<16xi32>
          %add3A_219 = arith.addi %add3A_218, %iota3A : vector<16xi32>
          %broadcast_in_dim3A_220 = arith.constant 0.000000e+00 : f32
          %broadcast_in_dim3A_221 = vector.broadcast %broadcast_in_dim3A_220 : f32 to vector<16xf32>
          %scan3A_222 = arith.constant 0 : i32
          %scan3A_223 = arith.constant 0 : i32
          %scan3A_224 = arith.constant 128 : i32
          %scan3A_225 = arith.addi %scan3A_223, %scan3A_224 : i32
          %scan3A_226 = arith.constant 1 : i32
          scf.for %scan3A_228 = %scan3A_223 to %scan3A_225 step %scan3A_226  : i32 {
            %broadcast_in_dim3A_229 = vector.broadcast %scan3A_228 : i32 to vector<16xi32>
            tpu.vector_store_idx %arg15[%add3A_219, %broadcast_in_dim3A_229], %broadcast_in_dim3A_221 masked %eq3A_129 : memref<50x128xf32, #tpu.memory_space<vmem>>[vector<16xi32>, vector<16xi32>], vector<16xf32>, vector<16xi1>
          }
          %scan3A_227 = arith.constant 128 : i32
        } else {
        }
        %get3A_139 = arith.index_cast %scan3A_82 : i32 to index
        %get3A_140 = arith.constant 16 : index
        %get3A_141 = tpu.vector_load %arg11[%get3A_139, %get3A_140] {strides = array<i32>} : memref<128x50xi32, #tpu.memory_space<vmem>>, vector<16xi32>,
        %eq3A_142 = arith.constant 0 : i32
        %eq3A_143 = vector.broadcast %eq3A_142 : i32 to vector<16xi32>
        %eq3A_144 = arith.cmpi eq, %get3A_141, %eq3A_143 : vector<16xi32>
        %jit3A_145 = arith.constant 1 : i32
        %jit3A_146 = arith.constant 0 : i32
        %broadcast_in_dim3A_147 = vector.broadcast %jit3A_145 : i32 to vector<16xi32>
        %broadcast_in_dim3A_148 = vector.broadcast %jit3A_146 : i32 to vector<16xi32>
        %select_n3A_149 = arith.select %eq3A_144, %broadcast_in_dim3A_147, %broadcast_in_dim3A_148 : vector<16xi1>, vector<16xi32>
        %reduce_sum3A_150 = arith.constant true
        %reduce_sum3A_151 = vector.broadcast %reduce_sum3A_150 : i1 to vector<16xi1>
        %reduce_sum3A_152 = tpu.scan <sum>, %select_n3A_149 masked %reduce_sum3A_151 : vector<16xi32>, vector<16xi1> -> vector<16xi32>
        %reduce_sum3A_153 = vector.extract %reduce_sum3A_152[15] : i32 from vector<16xi32>
        %gt3A_154 = arith.constant 0 : i32
        %gt3A_155 = arith.cmpi sgt, %reduce_sum3A_153, %gt3A_154 : i32
        %convert_element_type3A_156 = arith.extui %gt3A_155 : i1 to i32
        %cond3A_157 = arith.constant 0 : i32
        %cond3A_158 = arith.cmpi ne, %convert_element_type3A_156, %cond3A_157 : i32
        scf.if %cond3A_158 {
          %iota3A = tpu.iota {dimensions = array<i32: 0>} : vector<16xi32>
          %add3A_217 = arith.constant 16 : i32
          %add3A_218 = vector.broadcast %add3A_217 : i32 to vector<16xi32>
          %add3A_219 = arith.addi %add3A_218, %iota3A : vector<16xi32>
          %broadcast_in_dim3A_220 = arith.constant 0.000000e+00 : f32
          %broadcast_in_dim3A_221 = vector.broadcast %broadcast_in_dim3A_220 : f32 to vector<16xf32>
          %scan3A_222 = arith.constant 0 : i32
          %scan3A_223 = arith.constant 0 : i32
          %scan3A_224 = arith.constant 128 : i32
          %scan3A_225 = arith.addi %scan3A_223, %scan3A_224 : i32
          %scan3A_226 = arith.constant 1 : i32
          scf.for %scan3A_228 = %scan3A_223 to %scan3A_225 step %scan3A_226  : i32 {
            %broadcast_in_dim3A_229 = vector.broadcast %scan3A_228 : i32 to vector<16xi32>
            tpu.vector_store_idx %arg15[%add3A_219, %broadcast_in_dim3A_229], %broadcast_in_dim3A_221 masked %eq3A_144 : memref<50x128xf32, #tpu.memory_space<vmem>>[vector<16xi32>, vector<16xi32>], vector<16xf32>, vector<16xi1>
          }
          %scan3A_227 = arith.constant 128 : i32
        } else {
        }
        %get3A_159 = arith.index_cast %scan3A_82 : i32 to index
        %get3A_160 = arith.constant 32 : index
        %get3A_161 = tpu.vector_load %arg11[%get3A_159, %get3A_160] {strides = array<i32>} : memref<128x50xi32, #tpu.memory_space<vmem>>, vector<16xi32>,
        %eq3A_162 = arith.constant 0 : i32
        %eq3A_163 = vector.broadcast %eq3A_162 : i32 to vector<16xi32>
        %eq3A_164 = arith.cmpi eq, %get3A_161, %eq3A_163 : vector<16xi32>
        %jit3A_165 = arith.constant 1 : i32
        %jit3A_166 = arith.constant 0 : i32
        %broadcast_in_dim3A_167 = vector.broadcast %jit3A_165 : i32 to vector<16xi32>
        %broadcast_in_dim3A_168 = vector.broadcast %jit3A_166 : i32 to vector<16xi32>
        %select_n3A_169 = arith.select %eq3A_164, %broadcast_in_dim3A_167, %broadcast_in_dim3A_168 : vector<16xi1>, vector<16xi32>
        %reduce_sum3A_170 = arith.constant true
        %reduce_sum3A_171 = vector.broadcast %reduce_sum3A_170 : i1 to vector<16xi1>
        %reduce_sum3A_172 = tpu.scan <sum>, %select_n3A_169 masked %reduce_sum3A_171 : vector<16xi32>, vector<16xi1> -> vector<16xi32>
        %reduce_sum3A_173 = vector.extract %reduce_sum3A_172[15] : i32 from vector<16xi32>
        %gt3A_174 = arith.constant 0 : i32
        %gt3A_175 = arith.cmpi sgt, %reduce_sum3A_173, %gt3A_174 : i32
        %convert_element_type3A_176 = arith.extui %gt3A_175 : i1 to i32
        %cond3A_177 = arith.constant 0 : i32
        %cond3A_178 = arith.cmpi ne, %convert_element_type3A_176, %cond3A_177 : i32
        scf.if %cond3A_178 {
          %iota3A = tpu.iota {dimensions = array<i32: 0>} : vector<16xi32>
          %add3A_217 = arith.constant 32 : i32
          %add3A_218 = vector.broadcast %add3A_217 : i32 to vector<16xi32>
          %add3A_219 = arith.addi %add3A_218, %iota3A : vector<16xi32>
          %broadcast_in_dim3A_220 = arith.constant 0.000000e+00 : f32
          %broadcast_in_dim3A_221 = vector.broadcast %broadcast_in_dim3A_220 : f32 to vector<16xf32>
          %scan3A_222 = arith.constant 0 : i32
          %scan3A_223 = arith.constant 0 : i32
          %scan3A_224 = arith.constant 128 : i32
          %scan3A_225 = arith.addi %scan3A_223, %scan3A_224 : i32
          %scan3A_226 = arith.constant 1 : i32
          scf.for %scan3A_228 = %scan3A_223 to %scan3A_225 step %scan3A_226  : i32 {
            %broadcast_in_dim3A_229 = vector.broadcast %scan3A_228 : i32 to vector<16xi32>
            tpu.vector_store_idx %arg15[%add3A_219, %broadcast_in_dim3A_229], %broadcast_in_dim3A_221 masked %eq3A_164 : memref<50x128xf32, #tpu.memory_space<vmem>>[vector<16xi32>, vector<16xi32>], vector<16xf32>, vector<16xi1>
          }
          %scan3A_227 = arith.constant 128 : i32
        } else {
        }
        %get3A_179 = arith.index_cast %scan3A_82 : i32 to index
        %get3A_180 = arith.constant 34 : index
        %get3A_181 = tpu.vector_load %arg11[%get3A_179, %get3A_180] {strides = array<i32>} : memref<128x50xi32, #tpu.memory_space<vmem>>, vector<16xi32>,
        %eq3A_182 = arith.constant 0 : i32
        %eq3A_183 = vector.broadcast %eq3A_182 : i32 to vector<16xi32>
        %eq3A_184 = arith.cmpi eq, %get3A_181, %eq3A_183 : vector<16xi32>
        %jit3A_185 = arith.constant 1 : i32
        %jit3A_186 = arith.constant 0 : i32
        %broadcast_in_dim3A_187 = vector.broadcast %jit3A_185 : i32 to vector<16xi32>
        %broadcast_in_dim3A_188 = vector.broadcast %jit3A_186 : i32 to vector<16xi32>
        %select_n3A_189 = arith.select %eq3A_184, %broadcast_in_dim3A_187, %broadcast_in_dim3A_188 : vector<16xi1>, vector<16xi32>
        %reduce_sum3A_190 = arith.constant true
        %reduce_sum3A_191 = vector.broadcast %reduce_sum3A_190 : i1 to vector<16xi1>
        %reduce_sum3A_192 = tpu.scan <sum>, %select_n3A_189 masked %reduce_sum3A_191 : vector<16xi32>, vector<16xi1> -> vector<16xi32>
        %reduce_sum3A_193 = vector.extract %reduce_sum3A_192[15] : i32 from vector<16xi32>
        %gt3A_194 = arith.constant 0 : i32
        %gt3A_195 = arith.cmpi sgt, %reduce_sum3A_193, %gt3A_194 : i32
        %convert_element_type3A_196 = arith.extui %gt3A_195 : i1 to i32
        %cond3A_197 = arith.constant 0 : i32
        %cond3A_198 = arith.cmpi ne, %convert_element_type3A_196, %cond3A_197 : i32
        scf.if %cond3A_198 {
          %iota3A = tpu.iota {dimensions = array<i32: 0>} : vector<16xi32>
          %add3A_217 = arith.constant 34 : i32
          %add3A_218 = vector.broadcast %add3A_217 : i32 to vector<16xi32>
          %add3A_219 = arith.addi %add3A_218, %iota3A : vector<16xi32>
          %broadcast_in_dim3A_220 = arith.constant 0.000000e+00 : f32
          %broadcast_in_dim3A_221 = vector.broadcast %broadcast_in_dim3A_220 : f32 to vector<16xf32>
          %scan3A_222 = arith.constant 0 : i32
          %scan3A_223 = arith.constant 0 : i32
          %scan3A_224 = arith.constant 128 : i32
          %scan3A_225 = arith.addi %scan3A_223, %scan3A_224 : i32
          %scan3A_226 = arith.constant 1 : i32
          scf.for %scan3A_228 = %scan3A_223 to %scan3A_225 step %scan3A_226  : i32 {
            %broadcast_in_dim3A_229 = vector.broadcast %scan3A_228 : i32 to vector<16xi32>
            tpu.vector_store_idx %arg15[%add3A_219, %broadcast_in_dim3A_229], %broadcast_in_dim3A_221 masked %eq3A_184 : memref<50x128xf32, #tpu.memory_space<vmem>>[vector<16xi32>, vector<16xi32>], vector<16xf32>, vector<16xi1>
          }
          %scan3A_227 = arith.constant 128 : i32
        } else {
        }
        %add3A_199 = arith.addi %mul3A_2, %scan3A_82 : i32
        %add3A_200 = arith.addi %mul3A_2, %scan3A_82 : i32
        %dma_start3A_201 = arith.constant 0 : i32
        %dma_start3A_202 = arith.constant 0 : i32
        %dma_start3A_203 = tpu.memref_slice %arg10[%add3A_199, %dma_start3A_201, %dma_start3A_202] : memref<4096x50x256xf32, #tpu.memory_space<hbm>> -> memref<1x50x128xf32, #tpu.memory_space<hbm>>
        %dma_start3A_204 = tpu.memref_squeeze %dma_start3A_203 : memref<1x50x128xf32, #tpu.memory_space<hbm>> -> memref<50x128xf32, #tpu.memory_space<hbm>>
        %dma_start3A_205 = arith.constant 0 : i32
        %dma_start3A_206 = arith.constant 0 : i32
        %dma_start3A_207 = tpu.memref_slice %arg10[%add3A_199, %dma_start3A_205, %dma_start3A_206] : memref<4096x50x256xf32, #tpu.memory_space<hbm>> -> memref<1x50x128xf32, #tpu.memory_space<hbm>>
        %dma_start3A_208 = tpu.memref_squeeze %dma_start3A_207 : memref<1x50x128xf32, #tpu.memory_space<hbm>> -> memref<50x128xf32, #tpu.memory_space<hbm>>
        tpu.enqueue_dma source(%arg15 : memref<50x128xf32, #tpu.memory_space<vmem>>) target(%dma_start3A_208 : memref<50x128xf32, #tpu.memory_space<hbm>>) target_semaphore(%arg23 : memref<!tpu.dma_semaphore, #tpu.memory_space<semaphore_mem>>)
        %dma_start3A_209 = arith.constant 0 : i32
        %dma_start3A_210 = arith.constant 128 : i32
        %dma_start3A_211 = tpu.memref_slice %arg10[%add3A_200, %dma_start3A_209, %dma_start3A_210] : memref<4096x50x256xf32, #tpu.memory_space<hbm>> -> memref<1x50x128xf32, #tpu.memory_space<hbm>>
        %dma_start3A_212 = tpu.memref_squeeze %dma_start3A_211 : memref<1x50x128xf32, #tpu.memory_space<hbm>> -> memref<50x128xf32, #tpu.memory_space<hbm>>
        %dma_start3A_213 = arith.constant 0 : i32
        %dma_start3A_214 = arith.constant 128 : i32
        %dma_start3A_215 = tpu.memref_slice %arg10[%add3A_200, %dma_start3A_213, %dma_start3A_214] : memref<4096x50x256xf32, #tpu.memory_space<hbm>> -> memref<1x50x128xf32, #tpu.memory_space<hbm>>
        %dma_start3A_216 = tpu.memref_squeeze %dma_start3A_215 : memref<1x50x128xf32, #tpu.memory_space<hbm>> -> memref<50x128xf32, #tpu.memory_space<hbm>>
        tpu.enqueue_dma source(%arg16 : memref<50x128xf32, #tpu.memory_space<vmem>>) target(%dma_start3A_216 : memref<50x128xf32, #tpu.memory_space<hbm>>) target_semaphore(%arg23 : memref<!tpu.dma_semaphore, #tpu.memory_space<semaphore_mem>>)
      } else {
      }
      %eq3A_86 = arith.constant 1 : i32
      %eq3A_87 = arith.cmpi eq, %rem3A_83, %eq3A_86 : i32
      %convert_element_type3A_88 = arith.extui %eq3A_87 : i1 to i32
      %cond3A_89 = arith.constant 0 : i32
      %cond3A_90 = arith.cmpi ne, %convert_element_type3A_88, %cond3A_89 : i32
      scf.if %cond3A_90 {
        %dma_wait3A_96 = arith.constant 0 : i32
        %dma_wait3A_97 = tpu.memref_slice %arg13[%scan3A_82, %dma_wait3A_96] : memref<128x50xi32, #tpu.memory_space<vmem>> -> memref<1x50xi32, #tpu.memory_space<vmem>>
        %dma_wait3A_98 = tpu.memref_squeeze %dma_wait3A_97 : memref<1x50xi32, #tpu.memory_space<vmem>> -> memref<50xi32, #tpu.memory_space<vmem>>
        %dma_wait3A_99 = arith.constant 0 : i32
        %dma_wait3A_100 = arith.constant 0 : i32
        %dma_wait3A_101 = tpu.memref_slice %arg8[%dma_wait3A_99, %dma_wait3A_100] : memref<100000x128xf32, #tpu.memory_space<hbm>> -> memref<100000x128xf32, #tpu.memory_space<hbm>>
        tpu.wait_indirect_dma semaphore(%arg22 : memref<!tpu.dma_semaphore, #tpu.memory_space<semaphore_mem>>) src(%dma_wait3A_101 : memref<100000x128xf32, #tpu.memory_space<hbm>>) dst(%arg18 : memref<50x128xf32, #tpu.memory_space<vmem>>)
        %dma_wait3A_102 = arith.constant 0 : i32
        %dma_wait3A_103 = tpu.memref_slice %arg14[%scan3A_82, %dma_wait3A_102] : memref<128x50xi32, #tpu.memory_space<vmem>> -> memref<1x50xi32, #tpu.memory_space<vmem>>
        %dma_wait3A_104 = tpu.memref_squeeze %dma_wait3A_103 : memref<1x50xi32, #tpu.memory_space<vmem>> -> memref<50xi32, #tpu.memory_space<vmem>>
        %dma_wait3A_105 = arith.constant 0 : i32
        %dma_wait3A_106 = arith.constant 0 : i32
        %dma_wait3A_107 = tpu.memref_slice %arg9[%dma_wait3A_105, %dma_wait3A_106] : memref<10000x128xf32, #tpu.memory_space<hbm>> -> memref<10000x128xf32, #tpu.memory_space<hbm>>
        tpu.wait_indirect_dma semaphore(%arg22 : memref<!tpu.dma_semaphore, #tpu.memory_space<semaphore_mem>>) src(%dma_wait3A_107 : memref<10000x128xf32, #tpu.memory_space<hbm>>) dst(%arg18 : memref<50x128xf32, #tpu.memory_space<vmem>>)
        %add3A_108 = arith.constant 1 : i32
        %add3A_109 = arith.addi %scan3A_82, %add3A_108 : i32
        %lt3A = arith.constant 128 : i32
        %lt3A_110 = arith.cmpi slt, %add3A_109, %lt3A : i32
        %convert_element_type3A_111 = arith.extui %lt3A_110 : i1 to i32
        %cond3A_112 = arith.constant 0 : i32
        %cond3A_113 = arith.cmpi ne, %convert_element_type3A_111, %cond3A_112 : i32
        scf.if %cond3A_113 {
          %add3A_217 = arith.constant 1 : i32
          %add3A_218 = arith.addi %scan3A_82, %add3A_217 : i32
          %dma_wait3A_219 = arith.constant 0 : i32
          %dma_wait3A_220 = tpu.memref_slice %arg11[%add3A_218, %dma_wait3A_219] : memref<128x50xi32, #tpu.memory_space<vmem>> -> memref<1x50xi32, #tpu.memory_space<vmem>>
          %dma_wait3A_221 = tpu.memref_squeeze %dma_wait3A_220 : memref<1x50xi32, #tpu.memory_space<vmem>> -> memref<50xi32, #tpu.memory_space<vmem>>
          %dma_wait3A_222 = arith.constant 0 : i32
          %dma_wait3A_223 = arith.constant 0 : i32
          %dma_wait3A_224 = tpu.memref_slice %arg6[%dma_wait3A_222, %dma_wait3A_223] : memref<100000x128xf32, #tpu.memory_space<hbm>> -> memref<100000x128xf32, #tpu.memory_space<hbm>>
          tpu.wait_indirect_dma semaphore(%arg21 : memref<!tpu.dma_semaphore, #tpu.memory_space<semaphore_mem>>) src(%dma_wait3A_224 : memref<100000x128xf32, #tpu.memory_space<hbm>>) dst(%arg19 : memref<50x128xf32, #tpu.memory_space<vmem>>)
          %dma_wait3A_225 = arith.constant 0 : i32
          %dma_wait3A_226 = tpu.memref_slice %arg12[%add3A_218, %dma_wait3A_225] : memref<128x50xi32, #tpu.memory_space<vmem>> -> memref<1x50xi32, #tpu.memory_space<vmem>>
          %dma_wait3A_227 = tpu.memref_squeeze %dma_wait3A_226 : memref<1x50xi32, #tpu.memory_space<vmem>> -> memref<50xi32, #tpu.memory_space<vmem>>
          %dma_wait3A_228 = arith.constant 0 : i32
          %dma_wait3A_229 = arith.constant 0 : i32
          %dma_wait3A_230 = tpu.memref_slice %arg7[%dma_wait3A_228, %dma_wait3A_229] : memref<1000x128xf32, #tpu.memory_space<hbm>> -> memref<1000x128xf32, #tpu.memory_space<hbm>>
          tpu.wait_indirect_dma semaphore(%arg21 : memref<!tpu.dma_semaphore, #tpu.memory_space<semaphore_mem>>) src(%dma_wait3A_230 : memref<1000x128xf32, #tpu.memory_space<hbm>>) dst(%arg20 : memref<50x128xf32, #tpu.memory_space<vmem>>)
          %add3A_231 = arith.constant 1 : i32
          %add3A_232 = arith.addi %scan3A_82, %add3A_231 : i32
          %dma_start3A_233 = arith.constant 0 : i32
          %dma_start3A_234 = tpu.memref_slice %arg13[%add3A_232, %dma_start3A_233] : memref<128x50xi32, #tpu.memory_space<vmem>> -> memref<1x50xi32, #tpu.memory_space<vmem>>
          %dma_start3A_235 = tpu.memref_squeeze %dma_start3A_234 : memref<1x50xi32, #tpu.memory_space<vmem>> -> memref<50xi32, #tpu.memory_space<vmem>>
          %dma_start3A_236 = arith.constant 0 : i32
          %dma_start3A_237 = arith.constant 0 : i32
          %dma_start3A_238 = tpu.memref_slice %arg8[%dma_start3A_236, %dma_start3A_237] : memref<100000x128xf32, #tpu.memory_space<hbm>> -> memref<100000x128xf32, #tpu.memory_space<hbm>>
          tpu.enqueue_indirect_dma source(%dma_start3A_238 : memref<100000x128xf32, #tpu.memory_space<hbm>>) target(%arg20 : memref<50x128xf32, #tpu.memory_space<vmem>>) offsets(%dma_start3A_235 : memref<50xi32, #tpu.memory_space<vmem>>) semaphore(%arg22 : memref<!tpu.dma_semaphore, #tpu.memory_space<semaphore_mem>>) {add = true}
          %dma_start3A_239 = arith.constant 0 : i32
          %dma_start3A_240 = tpu.memref_slice %arg14[%add3A_232, %dma_start3A_239] : memref<128x50xi32, #tpu.memory_space<vmem>> -> memref<1x50xi32, #tpu.memory_space<vmem>>
          %dma_start3A_241 = tpu.memref_squeeze %dma_start3A_240 : memref<1x50xi32, #tpu.memory_space<vmem>> -> memref<50xi32, #tpu.memory_space<vmem>>
          %dma_start3A_242 = arith.constant 0 : i32
          %dma_start3A_243 = arith.constant 0 : i32
          %dma_start3A_244 = tpu.memref_slice %arg9[%dma_start3A_242, %dma_start3A_243] : memref<10000x128xf32, #tpu.memory_space<hbm>> -> memref<10000x128xf32, #tpu.memory_space<hbm>>
          tpu.enqueue_indirect_dma source(%dma_start3A_244 : memref<10000x128xf32, #tpu.memory_space<hbm>>) target(%arg20 : memref<50x128xf32, #tpu.memory_space<vmem>>) offsets(%dma_start3A_241 : memref<50xi32, #tpu.memory_space<vmem>>) semaphore(%arg22 : memref<!tpu.dma_semaphore, #tpu.memory_space<semaphore_mem>>) {add = true}
        } else {
        }
        %ge3A = arith.constant 1 : i32
        %ge3A_114 = arith.cmpi sge, %scan3A_82, %ge3A : i32
        %convert_element_type3A_115 = arith.extui %ge3A_114 : i1 to i32
        %cond3A_116 = arith.constant 0 : i32
        %cond3A_117 = arith.cmpi ne, %convert_element_type3A_115, %cond3A_116 : i32
        scf.if %cond3A_117 {
          %sub3A = arith.constant 1 : i32
          %sub3A_217 = arith.subi %scan3A_82, %sub3A : i32
          %add3A_218 = arith.addi %mul3A_2, %sub3A_217 : i32
          %add3A_219 = arith.addi %mul3A_2, %sub3A_217 : i32
          %dma_wait3A_220 = arith.constant 0 : i32
          %dma_wait3A_221 = arith.constant 0 : i32
          %dma_wait3A_222 = tpu.memref_slice %arg10[%add3A_218, %dma_wait3A_220, %dma_wait3A_221] : memref<4096x50x256xf32, #tpu.memory_space<hbm>> -> memref<1x50x128xf32, #tpu.memory_space<hbm>>
          %dma_wait3A_223 = tpu.memref_squeeze %dma_wait3A_222 : memref<1x50x128xf32, #tpu.memory_space<hbm>> -> memref<50x128xf32, #tpu.memory_space<hbm>>
          %dma_wait3A_224 = arith.constant 0 : i32
          %dma_wait3A_225 = arith.constant 0 : i32
          %dma_wait3A_226 = tpu.memref_slice %arg10[%add3A_218, %dma_wait3A_224, %dma_wait3A_225] : memref<4096x50x256xf32, #tpu.memory_space<hbm>> -> memref<1x50x128xf32, #tpu.memory_space<hbm>>
          %dma_wait3A_227 = tpu.memref_squeeze %dma_wait3A_226 : memref<1x50x128xf32, #tpu.memory_space<hbm>> -> memref<50x128xf32, #tpu.memory_space<hbm>>
          tpu.wait_dma2 semaphore(%arg23 : memref<!tpu.dma_semaphore, #tpu.memory_space<semaphore_mem>>) src(%arg15 : memref<50x128xf32, #tpu.memory_space<vmem>>) dst(%dma_wait3A_227 : memref<50x128xf32, #tpu.memory_space<hbm>>)
          %dma_wait3A_228 = arith.constant 0 : i32
          %dma_wait3A_229 = arith.constant 128 : i32
          %dma_wait3A_230 = tpu.memref_slice %arg10[%add3A_219, %dma_wait3A_228, %dma_wait3A_229] : memref<4096x50x256xf32, #tpu.memory_space<hbm>> -> memref<1x50x128xf32, #tpu.memory_space<hbm>>
          %dma_wait3A_231 = tpu.memref_squeeze %dma_wait3A_230 : memref<1x50x128xf32, #tpu.memory_space<hbm>> -> memref<50x128xf32, #tpu.memory_space<hbm>>
          %dma_wait3A_232 = arith.constant 0 : i32
          %dma_wait3A_233 = arith.constant 128 : i32
          %dma_wait3A_234 = tpu.memref_slice %arg10[%add3A_219, %dma_wait3A_232, %dma_wait3A_233] : memref<4096x50x256xf32, #tpu.memory_space<hbm>> -> memref<1x50x128xf32, #tpu.memory_space<hbm>>
          %dma_wait3A_235 = tpu.memref_squeeze %dma_wait3A_234 : memref<1x50x128xf32, #tpu.memory_space<hbm>> -> memref<50x128xf32, #tpu.memory_space<hbm>>
          tpu.wait_dma2 semaphore(%arg23 : memref<!tpu.dma_semaphore, #tpu.memory_space<semaphore_mem>>) src(%arg16 : memref<50x128xf32, #tpu.memory_space<vmem>>) dst(%dma_wait3A_235 : memref<50x128xf32, #tpu.memory_space<hbm>>)
        } else {
        }
        %add3A_118 = arith.constant 2 : i32
        %add3A_119 = arith.addi %scan3A_82, %add3A_118 : i32
        %lt3A_120 = arith.constant 128 : i32
        %lt3A_121 = arith.cmpi slt, %add3A_119, %lt3A_120 : i32
        %convert_element_type3A_122 = arith.extui %lt3A_121 : i1 to i32
        %cond3A_123 = arith.constant 0 : i32
        %cond3A_124 = arith.cmpi ne, %convert_element_type3A_122, %cond3A_123 : i32
        scf.if %cond3A_124 {
          %add3A_217 = arith.constant 2 : i32
          %add3A_218 = arith.addi %scan3A_82, %add3A_217 : i32
          %dma_start3A_219 = arith.constant 0 : i32
          %dma_start3A_220 = tpu.memref_slice %arg11[%add3A_218, %dma_start3A_219] : memref<128x50xi32, #tpu.memory_space<vmem>> -> memref<1x50xi32, #tpu.memory_space<vmem>>
          %dma_start3A_221 = tpu.memref_squeeze %dma_start3A_220 : memref<1x50xi32, #tpu.memory_space<vmem>> -> memref<50xi32, #tpu.memory_space<vmem>>
          %dma_start3A_222 = arith.constant 0 : i32
          %dma_start3A_223 = arith.constant 0 : i32
          %dma_start3A_224 = tpu.memref_slice %arg6[%dma_start3A_222, %dma_start3A_223] : memref<100000x128xf32, #tpu.memory_space<hbm>> -> memref<100000x128xf32, #tpu.memory_space<hbm>>
          tpu.enqueue_indirect_dma source(%dma_start3A_224 : memref<100000x128xf32, #tpu.memory_space<hbm>>) target(%arg15 : memref<50x128xf32, #tpu.memory_space<vmem>>) offsets(%dma_start3A_221 : memref<50xi32, #tpu.memory_space<vmem>>) semaphore(%arg21 : memref<!tpu.dma_semaphore, #tpu.memory_space<semaphore_mem>>)
          %dma_start3A_225 = arith.constant 0 : i32
          %dma_start3A_226 = tpu.memref_slice %arg12[%add3A_218, %dma_start3A_225] : memref<128x50xi32, #tpu.memory_space<vmem>> -> memref<1x50xi32, #tpu.memory_space<vmem>>
          %dma_start3A_227 = tpu.memref_squeeze %dma_start3A_226 : memref<1x50xi32, #tpu.memory_space<vmem>> -> memref<50xi32, #tpu.memory_space<vmem>>
          %dma_start3A_228 = arith.constant 0 : i32
          %dma_start3A_229 = arith.constant 0 : i32
          %dma_start3A_230 = tpu.memref_slice %arg7[%dma_start3A_228, %dma_start3A_229] : memref<1000x128xf32, #tpu.memory_space<hbm>> -> memref<1000x128xf32, #tpu.memory_space<hbm>>
          tpu.enqueue_indirect_dma source(%dma_start3A_230 : memref<1000x128xf32, #tpu.memory_space<hbm>>) target(%arg16 : memref<50x128xf32, #tpu.memory_space<vmem>>) offsets(%dma_start3A_227 : memref<50xi32, #tpu.memory_space<vmem>>) semaphore(%arg21 : memref<!tpu.dma_semaphore, #tpu.memory_space<semaphore_mem>>)
        } else {
        }
        %get3A = arith.index_cast %scan3A_82 : i32 to index
        %get3A_125 = arith.constant 0 : index
        %get3A_126 = tpu.vector_load %arg11[%get3A, %get3A_125] {strides = array<i32>} : memref<128x50xi32, #tpu.memory_space<vmem>>, vector<16xi32>,
        %eq3A_127 = arith.constant 0 : i32
        %eq3A_128 = vector.broadcast %eq3A_127 : i32 to vector<16xi32>
        %eq3A_129 = arith.cmpi eq, %get3A_126, %eq3A_128 : vector<16xi32>
        %jit3A = arith.constant 1 : i32
        %jit3A_130 = arith.constant 0 : i32
        %broadcast_in_dim3A = vector.broadcast %jit3A : i32 to vector<16xi32>
        %broadcast_in_dim3A_131 = vector.broadcast %jit3A_130 : i32 to vector<16xi32>
        %select_n3A = arith.select %eq3A_129, %broadcast_in_dim3A, %broadcast_in_dim3A_131 : vector<16xi1>, vector<16xi32>
        %reduce_sum3A = arith.constant true
        %reduce_sum3A_132 = vector.broadcast %reduce_sum3A : i1 to vector<16xi1>
        %reduce_sum3A_133 = tpu.scan <sum>, %select_n3A masked %reduce_sum3A_132 : vector<16xi32>, vector<16xi1> -> vector<16xi32>
        %reduce_sum3A_134 = vector.extract %reduce_sum3A_133[15] : i32 from vector<16xi32>
        %gt3A = arith.constant 0 : i32
        %gt3A_135 = arith.cmpi sgt, %reduce_sum3A_134, %gt3A : i32
        %convert_element_type3A_136 = arith.extui %gt3A_135 : i1 to i32
        %cond3A_137 = arith.constant 0 : i32
        %cond3A_138 = arith.cmpi ne, %convert_element_type3A_136, %cond3A_137 : i32
        scf.if %cond3A_138 {
          %iota3A = tpu.iota {dimensions = array<i32: 0>} : vector<16xi32>
          %add3A_217 = arith.constant 0 : i32
          %add3A_218 = vector.broadcast %add3A_217 : i32 to vector<16xi32>
          %add3A_219 = arith.addi %add3A_218, %iota3A : vector<16xi32>
          %broadcast_in_dim3A_220 = arith.constant 0.000000e+00 : f32
          %broadcast_in_dim3A_221 = vector.broadcast %broadcast_in_dim3A_220 : f32 to vector<16xf32>
          %scan3A_222 = arith.constant 0 : i32
          %scan3A_223 = arith.constant 0 : i32
          %scan3A_224 = arith.constant 128 : i32
          %scan3A_225 = arith.addi %scan3A_223, %scan3A_224 : i32
          %scan3A_226 = arith.constant 1 : i32
          scf.for %scan3A_228 = %scan3A_223 to %scan3A_225 step %scan3A_226  : i32 {
            %broadcast_in_dim3A_229 = vector.broadcast %scan3A_228 : i32 to vector<16xi32>
            tpu.vector_store_idx %arg17[%add3A_219, %broadcast_in_dim3A_229], %broadcast_in_dim3A_221 masked %eq3A_129 : memref<50x128xf32, #tpu.memory_space<vmem>>[vector<16xi32>, vector<16xi32>], vector<16xf32>, vector<16xi1>
          }
          %scan3A_227 = arith.constant 128 : i32
        } else {
        }
        %get3A_139 = arith.index_cast %scan3A_82 : i32 to index
        %get3A_140 = arith.constant 16 : index
        %get3A_141 = tpu.vector_load %arg11[%get3A_139, %get3A_140] {strides = array<i32>} : memref<128x50xi32, #tpu.memory_space<vmem>>, vector<16xi32>,
        %eq3A_142 = arith.constant 0 : i32
        %eq3A_143 = vector.broadcast %eq3A_142 : i32 to vector<16xi32>
        %eq3A_144 = arith.cmpi eq, %get3A_141, %eq3A_143 : vector<16xi32>
        %jit3A_145 = arith.constant 1 : i32
        %jit3A_146 = arith.constant 0 : i32
        %broadcast_in_dim3A_147 = vector.broadcast %jit3A_145 : i32 to vector<16xi32>
        %broadcast_in_dim3A_148 = vector.broadcast %jit3A_146 : i32 to vector<16xi32>
        %select_n3A_149 = arith.select %eq3A_144, %broadcast_in_dim3A_147, %broadcast_in_dim3A_148 : vector<16xi1>, vector<16xi32>
        %reduce_sum3A_150 = arith.constant true
        %reduce_sum3A_151 = vector.broadcast %reduce_sum3A_150 : i1 to vector<16xi1>
        %reduce_sum3A_152 = tpu.scan <sum>, %select_n3A_149 masked %reduce_sum3A_151 : vector<16xi32>, vector<16xi1> -> vector<16xi32>
        %reduce_sum3A_153 = vector.extract %reduce_sum3A_152[15] : i32 from vector<16xi32>
        %gt3A_154 = arith.constant 0 : i32
        %gt3A_155 = arith.cmpi sgt, %reduce_sum3A_153, %gt3A_154 : i32
        %convert_element_type3A_156 = arith.extui %gt3A_155 : i1 to i32
        %cond3A_157 = arith.constant 0 : i32
        %cond3A_158 = arith.cmpi ne, %convert_element_type3A_156, %cond3A_157 : i32
        scf.if %cond3A_158 {
          %iota3A = tpu.iota {dimensions = array<i32: 0>} : vector<16xi32>
          %add3A_217 = arith.constant 16 : i32
          %add3A_218 = vector.broadcast %add3A_217 : i32 to vector<16xi32>
          %add3A_219 = arith.addi %add3A_218, %iota3A : vector<16xi32>
          %broadcast_in_dim3A_220 = arith.constant 0.000000e+00 : f32
          %broadcast_in_dim3A_221 = vector.broadcast %broadcast_in_dim3A_220 : f32 to vector<16xf32>
          %scan3A_222 = arith.constant 0 : i32
          %scan3A_223 = arith.constant 0 : i32
          %scan3A_224 = arith.constant 128 : i32
          %scan3A_225 = arith.addi %scan3A_223, %scan3A_224 : i32
          %scan3A_226 = arith.constant 1 : i32
          scf.for %scan3A_228 = %scan3A_223 to %scan3A_225 step %scan3A_226  : i32 {
            %broadcast_in_dim3A_229 = vector.broadcast %scan3A_228 : i32 to vector<16xi32>
            tpu.vector_store_idx %arg17[%add3A_219, %broadcast_in_dim3A_229], %broadcast_in_dim3A_221 masked %eq3A_144 : memref<50x128xf32, #tpu.memory_space<vmem>>[vector<16xi32>, vector<16xi32>], vector<16xf32>, vector<16xi1>
          }
          %scan3A_227 = arith.constant 128 : i32
        } else {
        }
        %get3A_159 = arith.index_cast %scan3A_82 : i32 to index
        %get3A_160 = arith.constant 32 : index
        %get3A_161 = tpu.vector_load %arg11[%get3A_159, %get3A_160] {strides = array<i32>} : memref<128x50xi32, #tpu.memory_space<vmem>>, vector<16xi32>,
        %eq3A_162 = arith.constant 0 : i32
        %eq3A_163 = vector.broadcast %eq3A_162 : i32 to vector<16xi32>
        %eq3A_164 = arith.cmpi eq, %get3A_161, %eq3A_163 : vector<16xi32>
        %jit3A_165 = arith.constant 1 : i32
        %jit3A_166 = arith.constant 0 : i32
        %broadcast_in_dim3A_167 = vector.broadcast %jit3A_165 : i32 to vector<16xi32>
        %broadcast_in_dim3A_168 = vector.broadcast %jit3A_166 : i32 to vector<16xi32>
        %select_n3A_169 = arith.select %eq3A_164, %broadcast_in_dim3A_167, %broadcast_in_dim3A_168 : vector<16xi1>, vector<16xi32>
        %reduce_sum3A_170 = arith.constant true
        %reduce_sum3A_171 = vector.broadcast %reduce_sum3A_170 : i1 to vector<16xi1>
        %reduce_sum3A_172 = tpu.scan <sum>, %select_n3A_169 masked %reduce_sum3A_171 : vector<16xi32>, vector<16xi1> -> vector<16xi32>
        %reduce_sum3A_173 = vector.extract %reduce_sum3A_172[15] : i32 from vector<16xi32>
        %gt3A_174 = arith.constant 0 : i32
        %gt3A_175 = arith.cmpi sgt, %reduce_sum3A_173, %gt3A_174 : i32
        %convert_element_type3A_176 = arith.extui %gt3A_175 : i1 to i32
        %cond3A_177 = arith.constant 0 : i32
        %cond3A_178 = arith.cmpi ne, %convert_element_type3A_176, %cond3A_177 : i32
        scf.if %cond3A_178 {
          %iota3A = tpu.iota {dimensions = array<i32: 0>} : vector<16xi32>
          %add3A_217 = arith.constant 32 : i32
          %add3A_218 = vector.broadcast %add3A_217 : i32 to vector<16xi32>
          %add3A_219 = arith.addi %add3A_218, %iota3A : vector<16xi32>
          %broadcast_in_dim3A_220 = arith.constant 0.000000e+00 : f32
          %broadcast_in_dim3A_221 = vector.broadcast %broadcast_in_dim3A_220 : f32 to vector<16xf32>
          %scan3A_222 = arith.constant 0 : i32
          %scan3A_223 = arith.constant 0 : i32
          %scan3A_224 = arith.constant 128 : i32
          %scan3A_225 = arith.addi %scan3A_223, %scan3A_224 : i32
          %scan3A_226 = arith.constant 1 : i32
          scf.for %scan3A_228 = %scan3A_223 to %scan3A_225 step %scan3A_226  : i32 {
            %broadcast_in_dim3A_229 = vector.broadcast %scan3A_228 : i32 to vector<16xi32>
            tpu.vector_store_idx %arg17[%add3A_219, %broadcast_in_dim3A_229], %broadcast_in_dim3A_221 masked %eq3A_164 : memref<50x128xf32, #tpu.memory_space<vmem>>[vector<16xi32>, vector<16xi32>], vector<16xf32>, vector<16xi1>
          }
          %scan3A_227 = arith.constant 128 : i32
        } else {
        }
        %get3A_179 = arith.index_cast %scan3A_82 : i32 to index
        %get3A_180 = arith.constant 34 : index
        %get3A_181 = tpu.vector_load %arg11[%get3A_179, %get3A_180] {strides = array<i32>} : memref<128x50xi32, #tpu.memory_space<vmem>>, vector<16xi32>,
        %eq3A_182 = arith.constant 0 : i32
        %eq3A_183 = vector.broadcast %eq3A_182 : i32 to vector<16xi32>
        %eq3A_184 = arith.cmpi eq, %get3A_181, %eq3A_183 : vector<16xi32>
        %jit3A_185 = arith.constant 1 : i32
        %jit3A_186 = arith.constant 0 : i32
        %broadcast_in_dim3A_187 = vector.broadcast %jit3A_185 : i32 to vector<16xi32>
        %broadcast_in_dim3A_188 = vector.broadcast %jit3A_186 : i32 to vector<16xi32>
        %select_n3A_189 = arith.select %eq3A_184, %broadcast_in_dim3A_187, %broadcast_in_dim3A_188 : vector<16xi1>, vector<16xi32>
        %reduce_sum3A_190 = arith.constant true
        %reduce_sum3A_191 = vector.broadcast %reduce_sum3A_190 : i1 to vector<16xi1>
        %reduce_sum3A_192 = tpu.scan <sum>, %select_n3A_189 masked %reduce_sum3A_191 : vector<16xi32>, vector<16xi1> -> vector<16xi32>
        %reduce_sum3A_193 = vector.extract %reduce_sum3A_192[15] : i32 from vector<16xi32>
        %gt3A_194 = arith.constant 0 : i32
        %gt3A_195 = arith.cmpi sgt, %reduce_sum3A_193, %gt3A_194 : i32
        %convert_element_type3A_196 = arith.extui %gt3A_195 : i1 to i32
        %cond3A_197 = arith.constant 0 : i32
        %cond3A_198 = arith.cmpi ne, %convert_element_type3A_196, %cond3A_197 : i32
        scf.if %cond3A_198 {
          %iota3A = tpu.iota {dimensions = array<i32: 0>} : vector<16xi32>
          %add3A_217 = arith.constant 34 : i32
          %add3A_218 = vector.broadcast %add3A_217 : i32 to vector<16xi32>
          %add3A_219 = arith.addi %add3A_218, %iota3A : vector<16xi32>
          %broadcast_in_dim3A_220 = arith.constant 0.000000e+00 : f32
          %broadcast_in_dim3A_221 = vector.broadcast %broadcast_in_dim3A_220 : f32 to vector<16xf32>
          %scan3A_222 = arith.constant 0 : i32
          %scan3A_223 = arith.constant 0 : i32
          %scan3A_224 = arith.constant 128 : i32
          %scan3A_225 = arith.addi %scan3A_223, %scan3A_224 : i32
          %scan3A_226 = arith.constant 1 : i32
          scf.for %scan3A_228 = %scan3A_223 to %scan3A_225 step %scan3A_226  : i32 {
            %broadcast_in_dim3A_229 = vector.broadcast %scan3A_228 : i32 to vector<16xi32>
            tpu.vector_store_idx %arg17[%add3A_219, %broadcast_in_dim3A_229], %broadcast_in_dim3A_221 masked %eq3A_184 : memref<50x128xf32, #tpu.memory_space<vmem>>[vector<16xi32>, vector<16xi32>], vector<16xf32>, vector<16xi1>
          }
          %scan3A_227 = arith.constant 128 : i32
        } else {
        }
        %add3A_199 = arith.addi %mul3A_2, %scan3A_82 : i32
        %add3A_200 = arith.addi %mul3A_2, %scan3A_82 : i32
        %dma_start3A_201 = arith.constant 0 : i32
        %dma_start3A_202 = arith.constant 0 : i32
        %dma_start3A_203 = tpu.memref_slice %arg10[%add3A_199, %dma_start3A_201, %dma_start3A_202] : memref<4096x50x256xf32, #tpu.memory_space<hbm>> -> memref<1x50x128xf32, #tpu.memory_space<hbm>>
        %dma_start3A_204 = tpu.memref_squeeze %dma_start3A_203 : memref<1x50x128xf32, #tpu.memory_space<hbm>> -> memref<50x128xf32, #tpu.memory_space<hbm>>
        %dma_start3A_205 = arith.constant 0 : i32
        %dma_start3A_206 = arith.constant 0 : i32
        %dma_start3A_207 = tpu.memref_slice %arg10[%add3A_199, %dma_start3A_205, %dma_start3A_206] : memref<4096x50x256xf32, #tpu.memory_space<hbm>> -> memref<1x50x128xf32, #tpu.memory_space<hbm>>
        %dma_start3A_208 = tpu.memref_squeeze %dma_start3A_207 : memref<1x50x128xf32, #tpu.memory_space<hbm>> -> memref<50x128xf32, #tpu.memory_space<hbm>>
        tpu.enqueue_dma source(%arg17 : memref<50x128xf32, #tpu.memory_space<vmem>>) target(%dma_start3A_208 : memref<50x128xf32, #tpu.memory_space<hbm>>) target_semaphore(%arg23 : memref<!tpu.dma_semaphore, #tpu.memory_space<semaphore_mem>>)
        %dma_start3A_209 = arith.constant 0 : i32
        %dma_start3A_210 = arith.constant 128 : i32
        %dma_start3A_211 = tpu.memref_slice %arg10[%add3A_200, %dma_start3A_209, %dma_start3A_210] : memref<4096x50x256xf32, #tpu.memory_space<hbm>> -> memref<1x50x128xf32, #tpu.memory_space<hbm>>
        %dma_start3A_212 = tpu.memref_squeeze %dma_start3A_211 : memref<1x50x128xf32, #tpu.memory_space<hbm>> -> memref<50x128xf32, #tpu.memory_space<hbm>>
        %dma_start3A_213 = arith.constant 0 : i32
        %dma_start3A_214 = arith.constant 128 : i32
        %dma_start3A_215 = tpu.memref_slice %arg10[%add3A_200, %dma_start3A_213, %dma_start3A_214] : memref<4096x50x256xf32, #tpu.memory_space<hbm>> -> memref<1x50x128xf32, #tpu.memory_space<hbm>>
        %dma_start3A_216 = tpu.memref_squeeze %dma_start3A_215 : memref<1x50x128xf32, #tpu.memory_space<hbm>> -> memref<50x128xf32, #tpu.memory_space<hbm>>
        tpu.enqueue_dma source(%arg18 : memref<50x128xf32, #tpu.memory_space<vmem>>) target(%dma_start3A_216 : memref<50x128xf32, #tpu.memory_space<hbm>>) target_semaphore(%arg23 : memref<!tpu.dma_semaphore, #tpu.memory_space<semaphore_mem>>)
      } else {
      }
      %eq3A_91 = arith.constant 2 : i32
      %eq3A_92 = arith.cmpi eq, %rem3A_83, %eq3A_91 : i32
      %convert_element_type3A_93 = arith.extui %eq3A_92 : i1 to i32
      %cond3A_94 = arith.constant 0 : i32
      %cond3A_95 = arith.cmpi ne, %convert_element_type3A_93, %cond3A_94 : i32
      scf.if %cond3A_95 {
        %dma_wait3A_96 = arith.constant 0 : i32
        %dma_wait3A_97 = tpu.memref_slice %arg13[%scan3A_82, %dma_wait3A_96] : memref<128x50xi32, #tpu.memory_space<vmem>> -> memref<1x50xi32, #tpu.memory_space<vmem>>
        %dma_wait3A_98 = tpu.memref_squeeze %dma_wait3A_97 : memref<1x50xi32, #tpu.memory_space<vmem>> -> memref<50xi32, #tpu.memory_space<vmem>>
        %dma_wait3A_99 = arith.constant 0 : i32
        %dma_wait3A_100 = arith.constant 0 : i32
        %dma_wait3A_101 = tpu.memref_slice %arg8[%dma_wait3A_99, %dma_wait3A_100] : memref<100000x128xf32, #tpu.memory_space<hbm>> -> memref<100000x128xf32, #tpu.memory_space<hbm>>
        tpu.wait_indirect_dma semaphore(%arg22 : memref<!tpu.dma_semaphore, #tpu.memory_space<semaphore_mem>>) src(%dma_wait3A_101 : memref<100000x128xf32, #tpu.memory_space<hbm>>) dst(%arg20 : memref<50x128xf32, #tpu.memory_space<vmem>>)
        %dma_wait3A_102 = arith.constant 0 : i32
        %dma_wait3A_103 = tpu.memref_slice %arg14[%scan3A_82, %dma_wait3A_102] : memref<128x50xi32, #tpu.memory_space<vmem>> -> memref<1x50xi32, #tpu.memory_space<vmem>>
        %dma_wait3A_104 = tpu.memref_squeeze %dma_wait3A_103 : memref<1x50xi32, #tpu.memory_space<vmem>> -> memref<50xi32, #tpu.memory_space<vmem>>
        %dma_wait3A_105 = arith.constant 0 : i32
        %dma_wait3A_106 = arith.constant 0 : i32
        %dma_wait3A_107 = tpu.memref_slice %arg9[%dma_wait3A_105, %dma_wait3A_106] : memref<10000x128xf32, #tpu.memory_space<hbm>> -> memref<10000x128xf32, #tpu.memory_space<hbm>>
        tpu.wait_indirect_dma semaphore(%arg22 : memref<!tpu.dma_semaphore, #tpu.memory_space<semaphore_mem>>) src(%dma_wait3A_107 : memref<10000x128xf32, #tpu.memory_space<hbm>>) dst(%arg20 : memref<50x128xf32, #tpu.memory_space<vmem>>)
        %add3A_108 = arith.constant 1 : i32
        %add3A_109 = arith.addi %scan3A_82, %add3A_108 : i32
        %lt3A = arith.constant 128 : i32
        %lt3A_110 = arith.cmpi slt, %add3A_109, %lt3A : i32
        %convert_element_type3A_111 = arith.extui %lt3A_110 : i1 to i32
        %cond3A_112 = arith.constant 0 : i32
        %cond3A_113 = arith.cmpi ne, %convert_element_type3A_111, %cond3A_112 : i32
        scf.if %cond3A_113 {
          %add3A_217 = arith.constant 1 : i32
          %add3A_218 = arith.addi %scan3A_82, %add3A_217 : i32
          %dma_wait3A_219 = arith.constant 0 : i32
          %dma_wait3A_220 = tpu.memref_slice %arg11[%add3A_218, %dma_wait3A_219] : memref<128x50xi32, #tpu.memory_space<vmem>> -> memref<1x50xi32, #tpu.memory_space<vmem>>
          %dma_wait3A_221 = tpu.memref_squeeze %dma_wait3A_220 : memref<1x50xi32, #tpu.memory_space<vmem>> -> memref<50xi32, #tpu.memory_space<vmem>>
          %dma_wait3A_222 = arith.constant 0 : i32
          %dma_wait3A_223 = arith.constant 0 : i32
          %dma_wait3A_224 = tpu.memref_slice %arg6[%dma_wait3A_222, %dma_wait3A_223] : memref<100000x128xf32, #tpu.memory_space<hbm>> -> memref<100000x128xf32, #tpu.memory_space<hbm>>
          tpu.wait_indirect_dma semaphore(%arg21 : memref<!tpu.dma_semaphore, #tpu.memory_space<semaphore_mem>>) src(%dma_wait3A_224 : memref<100000x128xf32, #tpu.memory_space<hbm>>) dst(%arg15 : memref<50x128xf32, #tpu.memory_space<vmem>>)
          %dma_wait3A_225 = arith.constant 0 : i32
          %dma_wait3A_226 = tpu.memref_slice %arg12[%add3A_218, %dma_wait3A_225] : memref<128x50xi32, #tpu.memory_space<vmem>> -> memref<1x50xi32, #tpu.memory_space<vmem>>
          %dma_wait3A_227 = tpu.memref_squeeze %dma_wait3A_226 : memref<1x50xi32, #tpu.memory_space<vmem>> -> memref<50xi32, #tpu.memory_space<vmem>>
          %dma_wait3A_228 = arith.constant 0 : i32
          %dma_wait3A_229 = arith.constant 0 : i32
          %dma_wait3A_230 = tpu.memref_slice %arg7[%dma_wait3A_228, %dma_wait3A_229] : memref<1000x128xf32, #tpu.memory_space<hbm>> -> memref<1000x128xf32, #tpu.memory_space<hbm>>
          tpu.wait_indirect_dma semaphore(%arg21 : memref<!tpu.dma_semaphore, #tpu.memory_space<semaphore_mem>>) src(%dma_wait3A_230 : memref<1000x128xf32, #tpu.memory_space<hbm>>) dst(%arg16 : memref<50x128xf32, #tpu.memory_space<vmem>>)
          %add3A_231 = arith.constant 1 : i32
          %add3A_232 = arith.addi %scan3A_82, %add3A_231 : i32
          %dma_start3A_233 = arith.constant 0 : i32
          %dma_start3A_234 = tpu.memref_slice %arg13[%add3A_232, %dma_start3A_233] : memref<128x50xi32, #tpu.memory_space<vmem>> -> memref<1x50xi32, #tpu.memory_space<vmem>>
          %dma_start3A_235 = tpu.memref_squeeze %dma_start3A_234 : memref<1x50xi32, #tpu.memory_space<vmem>> -> memref<50xi32, #tpu.memory_space<vmem>>
          %dma_start3A_236 = arith.constant 0 : i32
          %dma_start3A_237 = arith.constant 0 : i32
          %dma_start3A_238 = tpu.memref_slice %arg8[%dma_start3A_236, %dma_start3A_237] : memref<100000x128xf32, #tpu.memory_space<hbm>> -> memref<100000x128xf32, #tpu.memory_space<hbm>>
          tpu.enqueue_indirect_dma source(%dma_start3A_238 : memref<100000x128xf32, #tpu.memory_space<hbm>>) target(%arg16 : memref<50x128xf32, #tpu.memory_space<vmem>>) offsets(%dma_start3A_235 : memref<50xi32, #tpu.memory_space<vmem>>) semaphore(%arg22 : memref<!tpu.dma_semaphore, #tpu.memory_space<semaphore_mem>>) {add = true}
          %dma_start3A_239 = arith.constant 0 : i32
          %dma_start3A_240 = tpu.memref_slice %arg14[%add3A_232, %dma_start3A_239] : memref<128x50xi32, #tpu.memory_space<vmem>> -> memref<1x50xi32, #tpu.memory_space<vmem>>
          %dma_start3A_241 = tpu.memref_squeeze %dma_start3A_240 : memref<1x50xi32, #tpu.memory_space<vmem>> -> memref<50xi32, #tpu.memory_space<vmem>>
          %dma_start3A_242 = arith.constant 0 : i32
          %dma_start3A_243 = arith.constant 0 : i32
          %dma_start3A_244 = tpu.memref_slice %arg9[%dma_start3A_242, %dma_start3A_243] : memref<10000x128xf32, #tpu.memory_space<hbm>> -> memref<10000x128xf32, #tpu.memory_space<hbm>>
          tpu.enqueue_indirect_dma source(%dma_start3A_244 : memref<10000x128xf32, #tpu.memory_space<hbm>>) target(%arg16 : memref<50x128xf32, #tpu.memory_space<vmem>>) offsets(%dma_start3A_241 : memref<50xi32, #tpu.memory_space<vmem>>) semaphore(%arg22 : memref<!tpu.dma_semaphore, #tpu.memory_space<semaphore_mem>>) {add = true}
        } else {
        }
        %ge3A = arith.constant 1 : i32
        %ge3A_114 = arith.cmpi sge, %scan3A_82, %ge3A : i32
        %convert_element_type3A_115 = arith.extui %ge3A_114 : i1 to i32
        %cond3A_116 = arith.constant 0 : i32
        %cond3A_117 = arith.cmpi ne, %convert_element_type3A_115, %cond3A_116 : i32
        scf.if %cond3A_117 {
          %sub3A = arith.constant 1 : i32
          %sub3A_217 = arith.subi %scan3A_82, %sub3A : i32
          %add3A_218 = arith.addi %mul3A_2, %sub3A_217 : i32
          %add3A_219 = arith.addi %mul3A_2, %sub3A_217 : i32
          %dma_wait3A_220 = arith.constant 0 : i32
          %dma_wait3A_221 = arith.constant 0 : i32
          %dma_wait3A_222 = tpu.memref_slice %arg10[%add3A_218, %dma_wait3A_220, %dma_wait3A_221] : memref<4096x50x256xf32, #tpu.memory_space<hbm>> -> memref<1x50x128xf32, #tpu.memory_space<hbm>>
          %dma_wait3A_223 = tpu.memref_squeeze %dma_wait3A_222 : memref<1x50x128xf32, #tpu.memory_space<hbm>> -> memref<50x128xf32, #tpu.memory_space<hbm>>
          %dma_wait3A_224 = arith.constant 0 : i32
          %dma_wait3A_225 = arith.constant 0 : i32
          %dma_wait3A_226 = tpu.memref_slice %arg10[%add3A_218, %dma_wait3A_224, %dma_wait3A_225] : memref<4096x50x256xf32, #tpu.memory_space<hbm>> -> memref<1x50x128xf32, #tpu.memory_space<hbm>>
          %dma_wait3A_227 = tpu.memref_squeeze %dma_wait3A_226 : memref<1x50x128xf32, #tpu.memory_space<hbm>> -> memref<50x128xf32, #tpu.memory_space<hbm>>
          tpu.wait_dma2 semaphore(%arg23 : memref<!tpu.dma_semaphore, #tpu.memory_space<semaphore_mem>>) src(%arg17 : memref<50x128xf32, #tpu.memory_space<vmem>>) dst(%dma_wait3A_227 : memref<50x128xf32, #tpu.memory_space<hbm>>)
          %dma_wait3A_228 = arith.constant 0 : i32
          %dma_wait3A_229 = arith.constant 128 : i32
          %dma_wait3A_230 = tpu.memref_slice %arg10[%add3A_219, %dma_wait3A_228, %dma_wait3A_229] : memref<4096x50x256xf32, #tpu.memory_space<hbm>> -> memref<1x50x128xf32, #tpu.memory_space<hbm>>
          %dma_wait3A_231 = tpu.memref_squeeze %dma_wait3A_230 : memref<1x50x128xf32, #tpu.memory_space<hbm>> -> memref<50x128xf32, #tpu.memory_space<hbm>>
          %dma_wait3A_232 = arith.constant 0 : i32
          %dma_wait3A_233 = arith.constant 128 : i32
          %dma_wait3A_234 = tpu.memref_slice %arg10[%add3A_219, %dma_wait3A_232, %dma_wait3A_233] : memref<4096x50x256xf32, #tpu.memory_space<hbm>> -> memref<1x50x128xf32, #tpu.memory_space<hbm>>
          %dma_wait3A_235 = tpu.memref_squeeze %dma_wait3A_234 : memref<1x50x128xf32, #tpu.memory_space<hbm>> -> memref<50x128xf32, #tpu.memory_space<hbm>>
          tpu.wait_dma2 semaphore(%arg23 : memref<!tpu.dma_semaphore, #tpu.memory_space<semaphore_mem>>) src(%arg18 : memref<50x128xf32, #tpu.memory_space<vmem>>) dst(%dma_wait3A_235 : memref<50x128xf32, #tpu.memory_space<hbm>>)
        } else {
        }
        %add3A_118 = arith.constant 2 : i32
        %add3A_119 = arith.addi %scan3A_82, %add3A_118 : i32
        %lt3A_120 = arith.constant 128 : i32
        %lt3A_121 = arith.cmpi slt, %add3A_119, %lt3A_120 : i32
        %convert_element_type3A_122 = arith.extui %lt3A_121 : i1 to i32
        %cond3A_123 = arith.constant 0 : i32
        %cond3A_124 = arith.cmpi ne, %convert_element_type3A_122, %cond3A_123 : i32
        scf.if %cond3A_124 {
          %add3A_217 = arith.constant 2 : i32
          %add3A_218 = arith.addi %scan3A_82, %add3A_217 : i32
          %dma_start3A_219 = arith.constant 0 : i32
          %dma_start3A_220 = tpu.memref_slice %arg11[%add3A_218, %dma_start3A_219] : memref<128x50xi32, #tpu.memory_space<vmem>> -> memref<1x50xi32, #tpu.memory_space<vmem>>
          %dma_start3A_221 = tpu.memref_squeeze %dma_start3A_220 : memref<1x50xi32, #tpu.memory_space<vmem>> -> memref<50xi32, #tpu.memory_space<vmem>>
          %dma_start3A_222 = arith.constant 0 : i32
          %dma_start3A_223 = arith.constant 0 : i32
          %dma_start3A_224 = tpu.memref_slice %arg6[%dma_start3A_222, %dma_start3A_223] : memref<100000x128xf32, #tpu.memory_space<hbm>> -> memref<100000x128xf32, #tpu.memory_space<hbm>>
          tpu.enqueue_indirect_dma source(%dma_start3A_224 : memref<100000x128xf32, #tpu.memory_space<hbm>>) target(%arg17 : memref<50x128xf32, #tpu.memory_space<vmem>>) offsets(%dma_start3A_221 : memref<50xi32, #tpu.memory_space<vmem>>) semaphore(%arg21 : memref<!tpu.dma_semaphore, #tpu.memory_space<semaphore_mem>>)
          %dma_start3A_225 = arith.constant 0 : i32
          %dma_start3A_226 = tpu.memref_slice %arg12[%add3A_218, %dma_start3A_225] : memref<128x50xi32, #tpu.memory_space<vmem>> -> memref<1x50xi32, #tpu.memory_space<vmem>>
          %dma_start3A_227 = tpu.memref_squeeze %dma_start3A_226 : memref<1x50xi32, #tpu.memory_space<vmem>> -> memref<50xi32, #tpu.memory_space<vmem>>
          %dma_start3A_228 = arith.constant 0 : i32
          %dma_start3A_229 = arith.constant 0 : i32
          %dma_start3A_230 = tpu.memref_slice %arg7[%dma_start3A_228, %dma_start3A_229] : memref<1000x128xf32, #tpu.memory_space<hbm>> -> memref<1000x128xf32, #tpu.memory_space<hbm>>
          tpu.enqueue_indirect_dma source(%dma_start3A_230 : memref<1000x128xf32, #tpu.memory_space<hbm>>) target(%arg18 : memref<50x128xf32, #tpu.memory_space<vmem>>) offsets(%dma_start3A_227 : memref<50xi32, #tpu.memory_space<vmem>>) semaphore(%arg21 : memref<!tpu.dma_semaphore, #tpu.memory_space<semaphore_mem>>)
        } else {
        }
        %get3A = arith.index_cast %scan3A_82 : i32 to index
        %get3A_125 = arith.constant 0 : index
        %get3A_126 = tpu.vector_load %arg11[%get3A, %get3A_125] {strides = array<i32>} : memref<128x50xi32, #tpu.memory_space<vmem>>, vector<16xi32>,
        %eq3A_127 = arith.constant 0 : i32
        %eq3A_128 = vector.broadcast %eq3A_127 : i32 to vector<16xi32>
        %eq3A_129 = arith.cmpi eq, %get3A_126, %eq3A_128 : vector<16xi32>
        %jit3A = arith.constant 1 : i32
        %jit3A_130 = arith.constant 0 : i32
        %broadcast_in_dim3A = vector.broadcast %jit3A : i32 to vector<16xi32>
        %broadcast_in_dim3A_131 = vector.broadcast %jit3A_130 : i32 to vector<16xi32>
        %select_n3A = arith.select %eq3A_129, %broadcast_in_dim3A, %broadcast_in_dim3A_131 : vector<16xi1>, vector<16xi32>
        %reduce_sum3A = arith.constant true
        %reduce_sum3A_132 = vector.broadcast %reduce_sum3A : i1 to vector<16xi1>
        %reduce_sum3A_133 = tpu.scan <sum>, %select_n3A masked %reduce_sum3A_132 : vector<16xi32>, vector<16xi1> -> vector<16xi32>
        %reduce_sum3A_134 = vector.extract %reduce_sum3A_133[15] : i32 from vector<16xi32>
        %gt3A = arith.constant 0 : i32
        %gt3A_135 = arith.cmpi sgt, %reduce_sum3A_134, %gt3A : i32
        %convert_element_type3A_136 = arith.extui %gt3A_135 : i1 to i32
        %cond3A_137 = arith.constant 0 : i32
        %cond3A_138 = arith.cmpi ne, %convert_element_type3A_136, %cond3A_137 : i32
        scf.if %cond3A_138 {
          %iota3A = tpu.iota {dimensions = array<i32: 0>} : vector<16xi32>
          %add3A_217 = arith.constant 0 : i32
          %add3A_218 = vector.broadcast %add3A_217 : i32 to vector<16xi32>
          %add3A_219 = arith.addi %add3A_218, %iota3A : vector<16xi32>
          %broadcast_in_dim3A_220 = arith.constant 0.000000e+00 : f32
          %broadcast_in_dim3A_221 = vector.broadcast %broadcast_in_dim3A_220 : f32 to vector<16xf32>
          %scan3A_222 = arith.constant 0 : i32
          %scan3A_223 = arith.constant 0 : i32
          %scan3A_224 = arith.constant 128 : i32
          %scan3A_225 = arith.addi %scan3A_223, %scan3A_224 : i32
          %scan3A_226 = arith.constant 1 : i32
          scf.for %scan3A_228 = %scan3A_223 to %scan3A_225 step %scan3A_226  : i32 {
            %broadcast_in_dim3A_229 = vector.broadcast %scan3A_228 : i32 to vector<16xi32>
            tpu.vector_store_idx %arg19[%add3A_219, %broadcast_in_dim3A_229], %broadcast_in_dim3A_221 masked %eq3A_129 : memref<50x128xf32, #tpu.memory_space<vmem>>[vector<16xi32>, vector<16xi32>], vector<16xf32>, vector<16xi1>
          }
          %scan3A_227 = arith.constant 128 : i32
        } else {
        }
        %get3A_139 = arith.index_cast %scan3A_82 : i32 to index
        %get3A_140 = arith.constant 16 : index
        %get3A_141 = tpu.vector_load %arg11[%get3A_139, %get3A_140] {strides = array<i32>} : memref<128x50xi32, #tpu.memory_space<vmem>>, vector<16xi32>,
        %eq3A_142 = arith.constant 0 : i32
        %eq3A_143 = vector.broadcast %eq3A_142 : i32 to vector<16xi32>
        %eq3A_144 = arith.cmpi eq, %get3A_141, %eq3A_143 : vector<16xi32>
        %jit3A_145 = arith.constant 1 : i32
        %jit3A_146 = arith.constant 0 : i32
        %broadcast_in_dim3A_147 = vector.broadcast %jit3A_145 : i32 to vector<16xi32>
        %broadcast_in_dim3A_148 = vector.broadcast %jit3A_146 : i32 to vector<16xi32>
        %select_n3A_149 = arith.select %eq3A_144, %broadcast_in_dim3A_147, %broadcast_in_dim3A_148 : vector<16xi1>, vector<16xi32>
        %reduce_sum3A_150 = arith.constant true
        %reduce_sum3A_151 = vector.broadcast %reduce_sum3A_150 : i1 to vector<16xi1>
        %reduce_sum3A_152 = tpu.scan <sum>, %select_n3A_149 masked %reduce_sum3A_151 : vector<16xi32>, vector<16xi1> -> vector<16xi32>
        %reduce_sum3A_153 = vector.extract %reduce_sum3A_152[15] : i32 from vector<16xi32>
        %gt3A_154 = arith.constant 0 : i32
        %gt3A_155 = arith.cmpi sgt, %reduce_sum3A_153, %gt3A_154 : i32
        %convert_element_type3A_156 = arith.extui %gt3A_155 : i1 to i32
        %cond3A_157 = arith.constant 0 : i32
        %cond3A_158 = arith.cmpi ne, %convert_element_type3A_156, %cond3A_157 : i32
        scf.if %cond3A_158 {
          %iota3A = tpu.iota {dimensions = array<i32: 0>} : vector<16xi32>
          %add3A_217 = arith.constant 16 : i32
          %add3A_218 = vector.broadcast %add3A_217 : i32 to vector<16xi32>
          %add3A_219 = arith.addi %add3A_218, %iota3A : vector<16xi32>
          %broadcast_in_dim3A_220 = arith.constant 0.000000e+00 : f32
          %broadcast_in_dim3A_221 = vector.broadcast %broadcast_in_dim3A_220 : f32 to vector<16xf32>
          %scan3A_222 = arith.constant 0 : i32
          %scan3A_223 = arith.constant 0 : i32
          %scan3A_224 = arith.constant 128 : i32
          %scan3A_225 = arith.addi %scan3A_223, %scan3A_224 : i32
          %scan3A_226 = arith.constant 1 : i32
          scf.for %scan3A_228 = %scan3A_223 to %scan3A_225 step %scan3A_226  : i32 {
            %broadcast_in_dim3A_229 = vector.broadcast %scan3A_228 : i32 to vector<16xi32>
            tpu.vector_store_idx %arg19[%add3A_219, %broadcast_in_dim3A_229], %broadcast_in_dim3A_221 masked %eq3A_144 : memref<50x128xf32, #tpu.memory_space<vmem>>[vector<16xi32>, vector<16xi32>], vector<16xf32>, vector<16xi1>
          }
          %scan3A_227 = arith.constant 128 : i32
        } else {
        }
        %get3A_159 = arith.index_cast %scan3A_82 : i32 to index
        %get3A_160 = arith.constant 32 : index
        %get3A_161 = tpu.vector_load %arg11[%get3A_159, %get3A_160] {strides = array<i32>} : memref<128x50xi32, #tpu.memory_space<vmem>>, vector<16xi32>,
        %eq3A_162 = arith.constant 0 : i32
        %eq3A_163 = vector.broadcast %eq3A_162 : i32 to vector<16xi32>
        %eq3A_164 = arith.cmpi eq, %get3A_161, %eq3A_163 : vector<16xi32>
        %jit3A_165 = arith.constant 1 : i32
        %jit3A_166 = arith.constant 0 : i32
        %broadcast_in_dim3A_167 = vector.broadcast %jit3A_165 : i32 to vector<16xi32>
        %broadcast_in_dim3A_168 = vector.broadcast %jit3A_166 : i32 to vector<16xi32>
        %select_n3A_169 = arith.select %eq3A_164, %broadcast_in_dim3A_167, %broadcast_in_dim3A_168 : vector<16xi1>, vector<16xi32>
        %reduce_sum3A_170 = arith.constant true
        %reduce_sum3A_171 = vector.broadcast %reduce_sum3A_170 : i1 to vector<16xi1>
        %reduce_sum3A_172 = tpu.scan <sum>, %select_n3A_169 masked %reduce_sum3A_171 : vector<16xi32>, vector<16xi1> -> vector<16xi32>
        %reduce_sum3A_173 = vector.extract %reduce_sum3A_172[15] : i32 from vector<16xi32>
        %gt3A_174 = arith.constant 0 : i32
        %gt3A_175 = arith.cmpi sgt, %reduce_sum3A_173, %gt3A_174 : i32
        %convert_element_type3A_176 = arith.extui %gt3A_175 : i1 to i32
        %cond3A_177 = arith.constant 0 : i32
        %cond3A_178 = arith.cmpi ne, %convert_element_type3A_176, %cond3A_177 : i32
        scf.if %cond3A_178 {
          %iota3A = tpu.iota {dimensions = array<i32: 0>} : vector<16xi32>
          %add3A_217 = arith.constant 32 : i32
          %add3A_218 = vector.broadcast %add3A_217 : i32 to vector<16xi32>
          %add3A_219 = arith.addi %add3A_218, %iota3A : vector<16xi32>
          %broadcast_in_dim3A_220 = arith.constant 0.000000e+00 : f32
          %broadcast_in_dim3A_221 = vector.broadcast %broadcast_in_dim3A_220 : f32 to vector<16xf32>
          %scan3A_222 = arith.constant 0 : i32
          %scan3A_223 = arith.constant 0 : i32
          %scan3A_224 = arith.constant 128 : i32
          %scan3A_225 = arith.addi %scan3A_223, %scan3A_224 : i32
          %scan3A_226 = arith.constant 1 : i32
          scf.for %scan3A_228 = %scan3A_223 to %scan3A_225 step %scan3A_226  : i32 {
            %broadcast_in_dim3A_229 = vector.broadcast %scan3A_228 : i32 to vector<16xi32>
            tpu.vector_store_idx %arg19[%add3A_219, %broadcast_in_dim3A_229], %broadcast_in_dim3A_221 masked %eq3A_164 : memref<50x128xf32, #tpu.memory_space<vmem>>[vector<16xi32>, vector<16xi32>], vector<16xf32>, vector<16xi1>
          }
          %scan3A_227 = arith.constant 128 : i32
        } else {
        }
        %get3A_179 = arith.index_cast %scan3A_82 : i32 to index
        %get3A_180 = arith.constant 34 : index
        %get3A_181 = tpu.vector_load %arg11[%get3A_179, %get3A_180] {strides = array<i32>} : memref<128x50xi32, #tpu.memory_space<vmem>>, vector<16xi32>,
        %eq3A_182 = arith.constant 0 : i32
        %eq3A_183 = vector.broadcast %eq3A_182 : i32 to vector<16xi32>
        %eq3A_184 = arith.cmpi eq, %get3A_181, %eq3A_183 : vector<16xi32>
        %jit3A_185 = arith.constant 1 : i32
        %jit3A_186 = arith.constant 0 : i32
        %broadcast_in_dim3A_187 = vector.broadcast %jit3A_185 : i32 to vector<16xi32>
        %broadcast_in_dim3A_188 = vector.broadcast %jit3A_186 : i32 to vector<16xi32>
        %select_n3A_189 = arith.select %eq3A_184, %broadcast_in_dim3A_187, %broadcast_in_dim3A_188 : vector<16xi1>, vector<16xi32>
        %reduce_sum3A_190 = arith.constant true
        %reduce_sum3A_191 = vector.broadcast %reduce_sum3A_190 : i1 to vector<16xi1>
        %reduce_sum3A_192 = tpu.scan <sum>, %select_n3A_189 masked %reduce_sum3A_191 : vector<16xi32>, vector<16xi1> -> vector<16xi32>
        %reduce_sum3A_193 = vector.extract %reduce_sum3A_192[15] : i32 from vector<16xi32>
        %gt3A_194 = arith.constant 0 : i32
        %gt3A_195 = arith.cmpi sgt, %reduce_sum3A_193, %gt3A_194 : i32
        %convert_element_type3A_196 = arith.extui %gt3A_195 : i1 to i32
        %cond3A_197 = arith.constant 0 : i32
        %cond3A_198 = arith.cmpi ne, %convert_element_type3A_196, %cond3A_197 : i32
        scf.if %cond3A_198 {
          %iota3A = tpu.iota {dimensions = array<i32: 0>} : vector<16xi32>
          %add3A_217 = arith.constant 34 : i32
          %add3A_218 = vector.broadcast %add3A_217 : i32 to vector<16xi32>
          %add3A_219 = arith.addi %add3A_218, %iota3A : vector<16xi32>
          %broadcast_in_dim3A_220 = arith.constant 0.000000e+00 : f32
          %broadcast_in_dim3A_221 = vector.broadcast %broadcast_in_dim3A_220 : f32 to vector<16xf32>
          %scan3A_222 = arith.constant 0 : i32
          %scan3A_223 = arith.constant 0 : i32
          %scan3A_224 = arith.constant 128 : i32
          %scan3A_225 = arith.addi %scan3A_223, %scan3A_224 : i32
          %scan3A_226 = arith.constant 1 : i32
          scf.for %scan3A_228 = %scan3A_223 to %scan3A_225 step %scan3A_226  : i32 {
            %broadcast_in_dim3A_229 = vector.broadcast %scan3A_228 : i32 to vector<16xi32>
            tpu.vector_store_idx %arg19[%add3A_219, %broadcast_in_dim3A_229], %broadcast_in_dim3A_221 masked %eq3A_184 : memref<50x128xf32, #tpu.memory_space<vmem>>[vector<16xi32>, vector<16xi32>], vector<16xf32>, vector<16xi1>
          }
          %scan3A_227 = arith.constant 128 : i32
        } else {
        }
        %add3A_199 = arith.addi %mul3A_2, %scan3A_82 : i32
        %add3A_200 = arith.addi %mul3A_2, %scan3A_82 : i32
        %dma_start3A_201 = arith.constant 0 : i32
        %dma_start3A_202 = arith.constant 0 : i32
        %dma_start3A_203 = tpu.memref_slice %arg10[%add3A_199, %dma_start3A_201, %dma_start3A_202] : memref<4096x50x256xf32, #tpu.memory_space<hbm>> -> memref<1x50x128xf32, #tpu.memory_space<hbm>>
        %dma_start3A_204 = tpu.memref_squeeze %dma_start3A_203 : memref<1x50x128xf32, #tpu.memory_space<hbm>> -> memref<50x128xf32, #tpu.memory_space<hbm>>
        %dma_start3A_205 = arith.constant 0 : i32
        %dma_start3A_206 = arith.constant 0 : i32
        %dma_start3A_207 = tpu.memref_slice %arg10[%add3A_199, %dma_start3A_205, %dma_start3A_206] : memref<4096x50x256xf32, #tpu.memory_space<hbm>> -> memref<1x50x128xf32, #tpu.memory_space<hbm>>
        %dma_start3A_208 = tpu.memref_squeeze %dma_start3A_207 : memref<1x50x128xf32, #tpu.memory_space<hbm>> -> memref<50x128xf32, #tpu.memory_space<hbm>>
        tpu.enqueue_dma source(%arg19 : memref<50x128xf32, #tpu.memory_space<vmem>>) target(%dma_start3A_208 : memref<50x128xf32, #tpu.memory_space<hbm>>) target_semaphore(%arg23 : memref<!tpu.dma_semaphore, #tpu.memory_space<semaphore_mem>>)
        %dma_start3A_209 = arith.constant 0 : i32
        %dma_start3A_210 = arith.constant 128 : i32
        %dma_start3A_211 = tpu.memref_slice %arg10[%add3A_200, %dma_start3A_209, %dma_start3A_210] : memref<4096x50x256xf32, #tpu.memory_space<hbm>> -> memref<1x50x128xf32, #tpu.memory_space<hbm>>
        %dma_start3A_212 = tpu.memref_squeeze %dma_start3A_211 : memref<1x50x128xf32, #tpu.memory_space<hbm>> -> memref<50x128xf32, #tpu.memory_space<hbm>>
        %dma_start3A_213 = arith.constant 0 : i32
        %dma_start3A_214 = arith.constant 128 : i32
        %dma_start3A_215 = tpu.memref_slice %arg10[%add3A_200, %dma_start3A_213, %dma_start3A_214] : memref<4096x50x256xf32, #tpu.memory_space<hbm>> -> memref<1x50x128xf32, #tpu.memory_space<hbm>>
        %dma_start3A_216 = tpu.memref_squeeze %dma_start3A_215 : memref<1x50x128xf32, #tpu.memory_space<hbm>> -> memref<50x128xf32, #tpu.memory_space<hbm>>
        tpu.enqueue_dma source(%arg20 : memref<50x128xf32, #tpu.memory_space<vmem>>) target(%dma_start3A_216 : memref<50x128xf32, #tpu.memory_space<hbm>>) target_semaphore(%arg23 : memref<!tpu.dma_semaphore, #tpu.memory_space<semaphore_mem>>)
      } else {
      }
    }
    %scan3A_61 = arith.constant 128 : i32
    %add3A_62 = arith.constant 127 : i32
    %add3A_63 = arith.addi %mul3A_2, %add3A_62 : i32
    %add3A_64 = arith.constant 127 : i32
    %add3A_65 = arith.addi %mul3A_2, %add3A_64 : i32
    %dma_wait3A_66 = arith.constant 0 : i32
    %dma_wait3A_67 = arith.constant 0 : i32
    %dma_wait3A_68 = tpu.memref_slice %arg10[%add3A_63, %dma_wait3A_66, %dma_wait3A_67] : memref<4096x50x256xf32, #tpu.memory_space<hbm>> -> memref<1x50x128xf32, #tpu.memory_space<hbm>>
    %dma_wait3A_69 = tpu.memref_squeeze %dma_wait3A_68 : memref<1x50x128xf32, #tpu.memory_space<hbm>> -> memref<50x128xf32, #tpu.memory_space<hbm>>
    %dma_wait3A_70 = arith.constant 0 : i32
    %dma_wait3A_71 = arith.constant 0 : i32
    %dma_wait3A_72 = tpu.memref_slice %arg10[%add3A_63, %dma_wait3A_70, %dma_wait3A_71] : memref<4096x50x256xf32, #tpu.memory_space<hbm>> -> memref<1x50x128xf32, #tpu.memory_space<hbm>>
    %dma_wait3A_73 = tpu.memref_squeeze %dma_wait3A_72 : memref<1x50x128xf32, #tpu.memory_space<hbm>> -> memref<50x128xf32, #tpu.memory_space<hbm>>
    tpu.wait_dma2 semaphore(%arg23 : memref<!tpu.dma_semaphore, #tpu.memory_space<semaphore_mem>>) src(%arg17 : memref<50x128xf32, #tpu.memory_space<vmem>>) dst(%dma_wait3A_73 : memref<50x128xf32, #tpu.memory_space<hbm>>)
    %dma_wait3A_74 = arith.constant 0 : i32
    %dma_wait3A_75 = arith.constant 128 : i32
    %dma_wait3A_76 = tpu.memref_slice %arg10[%add3A_65, %dma_wait3A_74, %dma_wait3A_75] : memref<4096x50x256xf32, #tpu.memory_space<hbm>> -> memref<1x50x128xf32, #tpu.memory_space<hbm>>
    %dma_wait3A_77 = tpu.memref_squeeze %dma_wait3A_76 : memref<1x50x128xf32, #tpu.memory_space<hbm>> -> memref<50x128xf32, #tpu.memory_space<hbm>>
    %dma_wait3A_78 = arith.constant 0 : i32
    %dma_wait3A_79 = arith.constant 128 : i32
    %dma_wait3A_80 = tpu.memref_slice %arg10[%add3A_65, %dma_wait3A_78, %dma_wait3A_79] : memref<4096x50x256xf32, #tpu.memory_space<hbm>> -> memref<1x50x128xf32, #tpu.memory_space<hbm>>
    %dma_wait3A_81 = tpu.memref_squeeze %dma_wait3A_80 : memref<1x50x128xf32, #tpu.memory_space<hbm>> -> memref<50x128xf32, #tpu.memory_space<hbm>>
    tpu.wait_dma2 semaphore(%arg23 : memref<!tpu.dma_semaphore, #tpu.memory_space<semaphore_mem>>) src(%arg18 : memref<50x128xf32, #tpu.memory_space<vmem>>) dst(%dma_wait3A_81 : memref<50x128xf32, #tpu.memory_space<hbm>>)
    return
  }
}

</mosaic_0001>

<sc_bundles>
// kernel: kernel.3.cloned.1.call-start
scs
__scs_entry_jumppad:
0x0: {  	(pc) =	sbr.rel $0x88, $3  }
0x1: {  	(tag) =	ssettag $0x0;
	lr =	simm.s32 $0x1  }
0x2: {  	[smem:$0x3F99] =	sst lr;
	_ =	strace $0xD0000000  }
0x3: {  	_ = 	snop  }
0x4: {  	_ = 	snop  }
0x5: {  	_ = 	snop  }
0x6: {  	_ = 	snop  }
0x7: {  	_ = 	snop  }
__scs_overlays_trampoline_lowered:
0x8: {  	[smem:$0x3FA8] =	sst s0  }
0x9: {  	[smem:$0x3FA9] =	sst s1  }
0xa: {  	[smem:$0x3FAA] =	sst s2  }
0xb: {  	[smem:$0x3FAB] =	sst s3  }
0xc: {  	[smem:$0x3FAC] =	sst s4  }
0xd: {  	[smem:$0x3FAD] =	sst s5  }
0xe: {  	[smem:$0x3FAE] =	sst s6  }
0xf: {  	[smem:$0x3FAF] =	sst s7  }
0x10: {  	[smem:$0x3FB0] =	sst s8  }
0x11: {  	[smem:$0x3FB1] =	sst s9;
	s0 =	simm.s32 @!p0 $0x0  }
0x12: {  	s1 =	sld [smem:$0x3F97];
	s0 =	simm.s32 @p0 $0x1  }
0x13: {  	[smem:$0x3FB2] =	sst s0;
	s0 =	simm.s32 @!p1 $0x0  }
0x14: {  	s2 =	sld [smem:$0x3F96];
	s0 =	simm.s32 @p1 $0x1  }
0x15: {  	[smem:$0x3FB3] =	sst s0;
	s0 =	simm.s32 @!p2 $0x0  }
0x16: {  	s3 =	sld [smem:$0x3FDB];
	s0 =	simm.s32 @p2 $0x1  }
0x17: {  	s4 =	simm.s32 $0x1BF5;
	[smem:$0x3FB5] =	sst s0  }
0x18: {  	s0 =	sld [smem:$0x3F98];
	_ =	swait.ge [sflag:s4], $0x0  }
0x19: {  	s7 =	sld [smem:$0x3F99]  }
0x1a: {  	s8 =	sadd.s32 $0xFFFFE003, lr  }
0x1b: {  	s9 =	sadd.s32 $0xFFFFFEF7, lr;
	s5 =	simm.s32 $0xFFFFFFFF;
	p2 =	slt.u32 s8, $0xFFFFF086  }
0x1c: {  	p1 =	slt.u32 s9, $0xF7A;
	s5 =	simm.s32 @!p2 $0x0  }
0x1d: {  	s5 =	simm.s32 @p1 $0x1;
	p0 =	seq.s32 s7, s2  }
0x1e: {  	s7 =	smul.u32 @!p0 $0xF7A, s2;
	p2 =	seq.s32 @!p0 s5, $0x0  }
0x1f: {  	s9 =	smul.u32 $0xF7A, s1;
	s8 =	simm.s32 @!p0 $0x1BF5;
	p2 =	por !p2, p0  }
0x20: {  	[sflag:s8] =	ssyncset.s32 @!p0 $0xFFFFF086;
	s6 =	sadd.s32 @!p0 s3, s7;
	s7 =	simm.s32 @!p0 $0x108  }
0x21: {  	s3 =	sadd.s32 s3, s9;
	s6 =	sadd.s32 @!p0 $0x88, s6;
	s7 =	simm.s32 @p2 $0x1082  }
0x22: {  	[simem:s7], [sflag:s8] =	dma.local @!p0 [hbm:s6], $0xF7A  }
0x23: {  	s9 =	sor.u32 $0xD0000000, s2;
	s6 =	simm.s32 $0x108;
	_ =	swait.ge @!p0 [sflag:s8], $0x0  }
0x24: {  	s3 =	sadd.s32 $0x88, s3;
	s6 =	simm.s32 @!p1 $0x1082;
	[sflag:s4] =	ssyncset.s32 $0xFFFFF086  }
0x25: {  	[simem:s6], [sflag:s4] =	dma.local [hbm:s3], $0xF7A  }
0x26: {  	[smem:$0x3F99] =	sst s1;
	(tag) =	ssettag s2;
	_ =	strace s9  }
0x27: {  	s1 =	sld [smem:$0x3FA9]  }
0x28: {  	s2 =	sld [smem:$0x3FAA]  }
0x29: {  	s4 =	sld [smem:$0x3FAC]  }
0x2a: {  	p0 =	seq.s32 s5, $0x0;
	s5 =	sld [smem:$0x3FAD]  }
0x2b: {  	s6 =	sld [smem:$0x3FAE]  }
0x2c: {  	s7 =	sld [smem:$0x3FAF]  }
0x2d: {  	s3 =	simm.s32 $0x108;
	s8 =	sld [smem:$0x3FB0]  }
0x2e: {  	s3 =	simm.s32 @!p0 $0x1082;
	s9 =	sld [smem:$0x3FB1]  }
0x2f: {  	lr =	sadd.s32 s0, s3;
	s0 =	sld [smem:$0x3FA8]  }
0x30: {  	s3 =	sld [smem:$0x3FAB]  }
0x31: {  	[smem:$0x3FB4] =	sst s10  }
0x32: {  	s10 =	sld [smem:$0x3FB2];
	_ =	sdelay $0x3  }
0x33: {  	p0 =	seq.s32 s10, $0x1;
	s10 =	sld [smem:$0x3FB4];
	_ =	sdelay $0x3  }
0x34: {  	[smem:$0x3FB4] =	sst s10  }
0x35: {  	s10 =	sld [smem:$0x3FB3];
	_ =	sdelay $0x3  }
0x36: {  	p1 =	seq.s32 s10, $0x1;
	s10 =	sld [smem:$0x3FB4];
	_ =	sdelay $0x3  }
0x37: {  	[smem:$0x3FB4] =	sst s10  }
0x38: {  	s10 =	sld [smem:$0x3FB5]  }
0x39: {  	_ = 	snop;
	(pc) =	sbr.ind lr, $3  }
0x3a: {  	_ = 	snop  }
0x3b: {  	_ = 	snop  }
0x3c: {  	p2 =	seq.s32 s10, $0x1;
	s10 =	sld [smem:$0x3FB4]  }
0x3d: {  	_ =	shalt  }
0x3e: {  	_ =	shalt  }
0x3f: {  	_ =	shalt  }
0x40: {  	_ =	shalt  }
0x41: {  	_ =	shalt  }
0x42: {  	_ =	shalt  }
0x43: {  	_ =	shalt  }
0x44: {  	_ =	shalt  }
0x45: {  	_ =	shalt  }
0x46: {  	_ =	shalt  }
0x47: {  	_ =	shalt  }
0x48: {  	_ =	shalt  }
0x49: {  	_ =	shalt  }
0x4a: {  	_ =	shalt  }
0x4b: {  	_ =	shalt  }
0x4c: {  	_ =	shalt  }
0x4d: {  	_ =	shalt  }
0x4e: {  	_ =	shalt  }
0x4f: {  	_ =	shalt  }
0x50: {  	_ =	shalt  }
0x51: {  	_ =	shalt  }
0x52: {  	_ =	shalt  }
0x53: {  	_ =	shalt  }
0x54: {  	_ =	shalt  }
0x55: {  	_ =	shalt  }
0x56: {  	_ =	shalt  }
0x57: {  	_ =	shalt  }
0x58: {  	_ =	shalt  }
0x59: {  	_ =	shalt  }
0x5a: {  	_ =	shalt  }
0x5b: {  	_ =	shalt  }
0x5c: {  	_ =	shalt  }
0x5d: {  	_ =	shalt  }
0x5e: {  	_ =	shalt  }
0x5f: {  	_ =	shalt  }
0x60: {  	_ =	shalt  }
0x61: {  	_ =	shalt  }
0x62: {  	_ =	shalt  }
0x63: {  	_ =	shalt  }
0x64: {  	_ =	shalt  }
0x65: {  	_ =	shalt  }
0x66: {  	_ =	shalt  }
0x67: {  	_ =	shalt  }
0x68: {  	_ =	shalt  }
0x69: {  	_ =	shalt  }
0x6a: {  	_ =	shalt  }
0x6b: {  	_ =	shalt  }
0x6c: {  	_ =	shalt  }
0x6d: {  	_ =	shalt  }
0x6e: {  	_ =	shalt  }
0x6f: {  	_ =	shalt  }
0x70: {  	_ =	shalt  }
0x71: {  	_ =	shalt  }
0x72: {  	_ =	shalt  }
0x73: {  	_ =	shalt  }
0x74: {  	_ =	shalt  }
0x75: {  	_ =	shalt  }
0x76: {  	_ =	shalt  }
0x77: {  	_ =	shalt  }
0x78: {  	_ =	shalt  }
0x79: {  	_ =	shalt  }
0x7a: {  	_ =	shalt  }
0x7b: {  	_ =	shalt  }
0x7c: {  	_ =	shalt  }
0x7d: {  	_ =	shalt  }
0x7e: {  	_ =	shalt  }
0x7f: {  	_ =	shalt  }
0x80: {  	_ =	shalt  }
0x81: {  	_ =	shalt  }
0x82: {  	_ =	shalt  }
0x83: {  	_ =	shalt  }
0x84: {  	_ =	shalt  }
0x85: {  	_ =	shalt  }
0x86: {  	_ =	shalt  }
0x87: {  	_ =	shalt  }
.Lfunc_end0:
.L_simem_size_0:
called_computation_lowered:
.L_overlay_start_0:
0x88: {  	s2 =	sld [smem:$0x3FD9]  }
0x89: {  	s3 =	sld [smem:$0x3FFE];
	_ =	sdelay $0x1  }
0x8a: {  	s1 =	srdreg.scid  }
0x8b: {  	s0 =	sand.u32 $0x1, s1  }
0x8c: {  	s17 =	sshll.u32 s0, $0xA;
	s2 =	sadd.s32 s3, s2  }
0x8d: {  	s2 =	sadd.s32 s2, s17  }
0x8e: {  	[smem:$0x3FC0] =	sst s2  }
0x8f: {  	_ = 	snop  }
0x90: {  	s2 =	sld [smem:$0x3FC5];
	(tm) =	ssettm $0x1  }
0x91: {  	s18 =	sld [smem:$0x3FFB];
	_ =	sdelay $0x3  }
0x92: {  	_ =	strace s18  }
0x93: {  	s3 =	sld [smem:$0x3FFC];
	_ =	sdelay $0x3  }
0x94: {  	_ =	strace s3  }
0x95: {  	s3 =	sld [smem:$0x3FFD];
	_ =	sdelay $0x3  }
0x96: {  	_ =	strace s3  }
0x97: {  	_ =	strace $0x8FFFFFFF  }
0x98: {  	s19 =	sld [smem:$0x3FDB];
	_ =	sdelay $0x1  }
0x99: {  	s4 =	simm.s32 $_scs_section_size  }
0x9a: {  	s5 =	simm.s32 $_size__tile_overlayer_lowered;
	s6 =	simm.s32 $_tile_overlayer_lowered  }
0x9b: {  	s22 =	simm.s32 $0x1BFF;
	s21 =	sshll.u32 s6, $0x1;
	s3 =	sadd.s32 s4, s19  }
0x9c: {  	s7 =	simm.s32 $0x0;
	s20 =	sshll.u32 s5, $0x1;
	s5 =	sadd.s32 s21, s3  }
0x9d: {  	[timem:s7], [sflag:s22] =	dma.local [hbm:s5], s20  }
0x9e: {  	_ =	swait.ge [sflag:s22], s20  }
0x9f: {  	s4 =	ssub.s32 $0x0, s20;
	[sflag:s22] =	ssyncset.done $0x0  }
0xa0: {  	[sflag:s22] =	ssyncadd.s32 s4;
	_ =	sdelay $0x1  }
0xa1: {  	s23 =	simm.s32 $0x1B8B  }
0xa2: {  	_ =	swait.ge [sflag:s23], $0x1  }
0xa3: {  	[sflag:s23] =	ssyncset.done $0x0  }
0xa4: {  	s25 =	simm.s32 $0x1B8E;
	s24 =	sld [smem:$0x3FFE];
	[sflag:s23] =	ssyncadd.s32 $0xFFFFFFFF  }
0xa5: {  	s26 =	simm.s32 $execute0_lowered;
	[smem:$0x3FD2] =	sst s25  }
0xa6: {  	s5 =	sshll.u32 s26, $0x1;
	_ =	strace $0x80000046;
	[dreg:$0x1] =	wrdreg $0xFFFFFFFF  }
0xa7: {  	s28 =	simm.s32 $_size_execute0_lowered;
	s3 =	sadd.s32 s3, s5;
	[dreg:$0x0] =	wrdreg $0x0  }
0xa8: {  	s5 =	sshll.u32 s28, $0x1;
	[dreg:$0x2] =	wrdreg s3  }
0xa9: {  	[dreg:$0x3] =	wrdreg s5  }
0xaa: {  	[dreg:$0x4] =	wrdreg $0xC0  }
0xab: {  	_ =	task [dreg:s7], $0x5FFFF  }
0xac: {  	[dreg:$0x1] =	wrdreg $0xFFFFFFFF  }
0xad: {  	[dreg:$0x0] =	wrdreg $0x60  }
0xae: {  	[dreg:$0x2] =	wrdreg s24  }
0xaf: {  	[dreg:$0x3] =	wrdreg s2  }
0xb0: {  	[dreg:$0x4] =	wrdreg $0x9  }
0xb1: {  	_ =	task.clear_ibuf [dreg:s7], $0x5FFFF;
	_ =	strace $0x90000046  }
0xb2: {  	s29 =	simm.s32 $0x9;
	_ =	strace $0x80000048  }
0xb3: {  	_ =	swait.ge [sflag:s29], $0x1  }
0xb4: {  	[sflag:s29] =	ssyncadd.s32 $0xFFFFFFFF  }
0xb5: {  	_ =	strace $0x90000048  }
0xb6: {  	_ =	sfence  }
0xb7: {  	s30 =	sld [smem:$0x0];
	_ =	sdelay $0x2  }
0xb8: {  	s31 =	sshll.u32 s1, $0xD;
	s1 =	sshrl.u32 s1, $0x2  }
0xb9: {  	s3 =	sand.u32 $0x4000, s31;
	s1 =	sadd.s32 s1, s30  }
0xba: {  	s0 =	sor.u32 s3, s0;
	s1 =	sshll.u32 s1, $0x11  }
0xbb: {  	s0 =	sor.u32 s1, s0  }
0xbc: {  	s0 =	sadd.s32 $0x8F2B, s0  }
0xbd: {  	[sflag:s0] =	ssyncadd.remote.s32 $0x1  }
0xbe: {  	_ =	sfence.sel $0xFFFF  }
0xbf: {  	[dreg:$0x0] =	wrdreg $0xFFFFFFFF;
	(pc) =	sbr.abs _section_cstart, $3  }
0xc0: {  	[dreg:$0x1] =	wrdreg $0xFFFFFFFF  }
0xc1: {  	_ =	task.clear_ibuf [dreg:s7], $0x2FFFF;
	_ =	strace $0x9FFFFFFF  }
0xc2: {  	(tm) =	ssettm $0x7FFFFFFF  }
0xc3: {  	_ =	shalt  }
tec
execute0_lowered:
.L_overlay_start_1:
0x0: {  	(tag) =	ssettag $0x1  }
0x1: {  	s0 =	rddreg [dreg:$0x0]  }
0x2: {  	s2 =	rddreg [dreg:$0x1]  }
0x3: {  	s1 =	srdreg.scid;
	s4 =	stileid.u32;
	s3 =	simm.s32 $0x0  }
0x4: {  	s15 =	simm.s32 $0x4;
	s19 =	simm.s32 $0x32;
	s20 =	simm.s32 $0x10000  }
0x5: {  	s21 =	simm.s32 $0x11C00;
	s22 =	simm.s32 $0x1;
	s28 =	simm.s32 $0x2  }
0x6: {  	s29 =	simm.s32 $0x17000;
	s30 =	simm.s32 $0x3;
	s31 =	simm.s32 $0x400  }
0x7: {  	s23 =	simm.s32 $0x0;
	s1 =	sand.u32 $0x1, s1;
	s4 =	sshll.u32 s4, $0x8  }
0x8: {  	[smem:$0x7FF] =	sst s3;
	s6 =	sadd.s32 $0x6BE00, s0;
	s7 =	sadd.s32 $0x44C00, s0  }
0x9: {  	s8 =	sadd.s32 $0x1F2800, s0;
	s5 =	sshll.u32 s1, $0x7;
	s1 =	ssub.s32 $0x2, s1  }
0xa: {  	s13 =	sadd.s32 $0x1F2880, s0;
	s4 =	sor.u32 s5, s4;
	s10 =	sshrl.u32 s1, $0x1  }
0xb: {  	_ =	strace $0x80000047;
	s5 =	sshll.u32 s4, $0x4;
	s1 =	ssub.s32 s1, s10  }
.Ltmp0:
0xc: {  	s9 =	sadd.s32 s5, s0;
	s5 =	sadd.s32 $0x40C00, s0;
	(pc) =	sbr.rel .LBB2_1-.Ltmp0, $4  }
0xd: {  	v0 =	vlaneseq.u32;
	s14 =	smax.u32 s1, $0x1;
	s0 =	simm.s32 $0x800;
	s24 =	sadd.s32 $0xC00, s9  }
0xe: {  	v0 =	vmul.u32 $0x80, v0;
	s1 =	simm.s32 $0x18C00;
	s25 =	sadd.s32 $0x10C00, s9;
	[dreg:$0x3] =	wrdreg s24  }
0xf: {  	v1 =	vimm.s32 $0x0;
	v2 =	vimm.f32 $0.0e+00;
	s26 =	sadd.s32 $0x20C00, s9;
	s12 =	sadd.s32 $0x30C00, s9;
	[dreg:$0x4] =	wrdreg s25  }
0x10: {  	v3 =	vor.u32 $0x800, v0;
	v4 =	vor.u32 $0x1000, v0;
	v5 =	vadd.s32 $0x1100, v0;
	[dreg:$0x5] =	wrdreg s26;
	s24 =	simm.s32 $0x13800;
	s26 =	simm.s32 $0x15400  }
.LBB2_66:
0x11: {  	s23 =	sadd.s32 $0x1, s23  }
0x12: {  	_ =	swait.ge [sflag:s30], $0x1900;
	p0 =	sne.s32 s23, s14  }
.Ltmp1:
0x13: {  	[sflag:s30] =	ssyncset.done $0x0;
	(pc) =	sbr.rel @!p0 .LBB2_67-.Ltmp1, $4  }
0x14: {  	[sflag:s30] =	ssyncadd.s32 $0xFFFFE700  }
0x15: {  	_ =	swait.ge [sflag:s30], $0x1900  }
0x16: {  	[sflag:s30] =	ssyncset.done $0x0  }
0x17: {  	[sflag:s30] =	ssyncadd.s32 $0xFFFFE700  }
.LBB2_1:
0x18: {  	s9 =	rddreg [dreg:$0x3]  }
0x19: {  	[tilespmem:s3], [sflag:$0x4] =	stream.linear.gather [hbm4b:s9+s3], $0x4000, $0x38;
	[tilespmem:$0x1A800] =	vst v63  }
0x1a: {  	_ =	swait.ge [sflag:s15], $0x4000  }
0x1b: {  	[sflag:s15] =	ssyncset.done $0x0  }
0x1c: {  	s10 =	simm.s32 $0x4000;
	s11 =	rddreg [dreg:$0x4];
	[sflag:s15] =	ssyncadd.s32 $0xFFFFC000  }
0x1d: {  	[tilespmem:s10], [sflag:$0x4] =	stream.linear.gather [hbm4b:s11+s3], $0x4000, $0x38;
	[tilespmem:$0x1A800] =	vst v63  }
0x1e: {  	_ =	swait.ge [sflag:s15], $0x4000  }
0x1f: {  	[sflag:s15] =	ssyncset.done $0x0  }
0x20: {  	s11 =	simm.s32 $0x8000;
	s16 =	rddreg [dreg:$0x5];
	[sflag:s15] =	ssyncadd.s32 $0xFFFFC000  }
0x21: {  	[tilespmem:s11], [sflag:$0x4] =	stream.linear.gather [hbm4b:s16+s3], $0x4000, $0x38;
	[tilespmem:$0x1A800] =	vst v63  }
0x22: {  	_ =	swait.ge [sflag:s15], $0x4000  }
0x23: {  	[sflag:s15] =	ssyncset.done $0x0  }
0x24: {  	s17 =	simm.s32 $0xC000;
	[sflag:s15] =	ssyncadd.s32 $0xFFFFC000  }
0x25: {  	[tilespmem:s17], [sflag:$0x4] =	stream.linear.gather [hbm4b:s12+s3], $0x4000, $0x38;
	[tilespmem:$0x1A800] =	vst v63  }
0x26: {  	_ =	swait.ge [sflag:s15], $0x4000  }
0x27: {  	[sflag:s15] =	ssyncset.done $0x0  }
0x28: {  	[sflag:s15] =	ssyncadd.s32 $0xFFFFC000  }
0x29: {  	[tilespmem:s20], [sflag:$0x1] =	stream.indirect.gather [hbm4b:s2+s19], $0x80, s3, s19, $0xb8;
	[tilespmem:$0x1A800] =	vst v63  }
0x2a: {  	_ = 	snop  }
0x2b: {  	[tilespmem:s21], [sflag:$0x1] =	stream.indirect.gather [hbm4b:s5+s19], $0x80, s10, s19, $0xb8;
	[tilespmem:$0x1A800] =	vst v63  }
0x2c: {  	_ =	swait.ge [sflag:s22], $0x1900  }
0x2d: {  	[sflag:s22] =	ssyncset.done $0x0  }
0x2e: {  	[sflag:s22] =	ssyncadd.s32 $0xFFFFE700  }
0x2f: {  	_ =	swait.ge [sflag:s22], $0x1900  }
0x30: {  	[sflag:s22] =	ssyncset.done $0x0  }
0x31: {  	[sflag:s22] =	ssyncadd.s32 $0xFFFFE700  }
0x32: {  	[tilespmem:s21], [sflag:$0x2] =	stream.indirect.gather.add.f32 [hbm:s6], $0x80, s11, s19, $0xb8;
	[tilespmem:$0x1A800] =	vst v63  }
0x33: {  	_ = 	snop  }
0x34: {  	[tilespmem:s21], [sflag:$0x2] =	stream.indirect.gather.add.f32 [hbm:s7], $0x80, s17, s19, $0xb8;
	[tilespmem:$0x1A800] =	vst v63  }
.Ltmp2:
0x35: {  	s18 =	simm.s32 $0x80;
	(pc) =	sbr.rel .LBB2_2-.Ltmp2, $4  }
0x36: {  	[tilespmem:s24], [sflag:$0x1] =	stream.indirect.gather [hbm4b:s2+s19], $0x80, s18, s19, $0xb8;
	[tilespmem:$0x1A800] =	vst v63  }
0x37: {  	s25 =	simm.s32 $0x4080  }
0x38: {  	[tilespmem:s26], [sflag:$0x1] =	stream.indirect.gather [hbm4b:s5+s19], $0x80, s25, s19, $0xb8;
	[tilespmem:$0x1A800] =	vst v63  }
0x39: {  	s25 =	simm.s32 $0x0  }
.LBB2_39:
0x3a: {  	s9 =	simm.s32 $0x13800  }
.LBB2_65:
0x3b: {  	s10 =	sor.u32 s4, s25  }
0x3c: {  	s10 =	smul.u32 $0x700, s10;
	_ =	sdelay $0x1  }
0x3d: {  	s25 =	sadd.s32 $0x1, s25;
	s11 =	sadd.s32 s8, s10  }
0x3e: {  	[hbm4b:s11+s31] =	stream.strided.scatter [tilespmem:s9], [sflag:$0x3], $0x1800, s0, s31, $0x38;
	[tilespmem:$0x1A800] =	vst v63  }
0x3f: {  	p0 =	sne.s32 s25, $0x80;
	s11 =	sadd.s32 $0x600, s11  }
0x40: {  	[hbm4b:s11+s3] =	stream.linear.scatter [tilespmem:s18], [sflag:$0x3], $0x100, $0x38;
	[tilespmem:$0x1A800] =	vst v63  }
.Ltmp3:
0x41: {  	_ = 	snop;
	(pc) =	sbr.rel @!p0 .LBB2_66-.Ltmp3, $4  }
0x42: {  	s18 =	sadd.s32 s10, s13  }
0x43: {  	[hbm4b:s18+s31] =	stream.strided.scatter [tilespmem:s17], [sflag:$0x3], $0x1800, s0, s31, $0x38;
	[tilespmem:$0x1A800] =	vst v63  }
0x44: {  	s9 =	sadd.s32 $0x600, s18  }
0x45: {  	[hbm4b:s9+s3] =	stream.linear.scatter [tilespmem:s16], [sflag:$0x3], $0x100, $0x38;
	[tilespmem:$0x1A800] =	vst v63  }
.LBB2_2:
0x46: {  	s9 =	smul.u32 $0xAB, s25;
	_ =	sdelay $0x1  }
0x47: {  	s9 =	sshrl.u32 s9, $0x9  }
0x48: {  	s9 =	sand.u32 $0x7F, s9  }
0x49: {  	s9 =	smul.u32 $0x3, s9;
	_ =	sdelay $0x1  }
0x4a: {  	s9 =	ssub.s32 s25, s9  }
0x4b: {  	s9 =	sand.u32 $0xFF, s9  }
0x4c: {  	_ =	swait.ge [sflag:s28], $0x1900;
	p1 =	seq.s32 s9, $0x2  }
.Ltmp4:
0x4d: {  	[sflag:s28] =	ssyncset.done $0x0;
	(pc) =	sbr.rel @p1 .LBB2_43-.Ltmp4, $4  }
0x4e: {  	[sflag:s28] =	ssyncadd.s32 $0xFFFFE700  }
0x4f: {  	_ =	swait.ge [sflag:s28], $0x1900  }
0x50: {  	p0 =	seq.s32 s25, $0x7F;
	[sflag:s28] =	ssyncset.done $0x0  }
0x51: {  	s16 =	sshll.u32 @!p0 s25, $0x7;
	[sflag:s28] =	ssyncadd.s32 $0xFFFFE700  }
0x52: {  	p1 =	seq.s32 s9, $0x1  }
.Ltmp5:
0x53: {  	_ = 	snop;
	(pc) =	sbr.rel @!p1 .LBB2_4-.Ltmp5, $1  }
0x54: {  	_ =	sdelay $0x3  }
0x55: {  	s9 =	simm.s32 @!p0 $0x1  }
0x56: {  	_ =	swait.ge @!p0 [sflag:s9], $0x1900  }
0x57: {  	[sflag:s9] =	ssyncset.done @!p0 $0x0  }
0x58: {  	[sflag:s9] =	ssyncadd.s32 @!p0 $0xFFFFE700  }
0x59: {  	_ =	swait.ge @!p0 [sflag:s9], $0x1900  }
0x5a: {  	s10 =	simm.s32 @!p0 $0x32;
	[sflag:s9] =	ssyncset.done @!p0 $0x0  }
0x5b: {  	s17 =	simm.s32 @!p0 $0x18C00;
	[sflag:s9] =	ssyncadd.s32 @!p0 $0xFFFFE700;
	s9 =	sadd.s32 @!p0 $0x8080, s16  }
0x5c: {  	[tilespmem:s17], [sflag:$0x2] =	stream.indirect.gather.add.f32 @!p0 [hbm:s6], $0x80, s9, s10, $0xb8;
	[tilespmem:$0x1A800] =	vst v63  }
0x5d: {  	s9 =	sadd.s32 @!p0 $0xC080, s16  }
0x5e: {  	[tilespmem:s17], [sflag:$0x2] =	stream.indirect.gather.add.f32 @!p0 [hbm:s7], $0x80, s9, s10, $0xb8;
	[tilespmem:$0x1A800] =	vst v63  }
0x5f: {  	_ =	swait.ge [sflag:s30], $0x1900  }
0x60: {  	[sflag:s30] =	ssyncset.done $0x0  }
0x61: {  	[sflag:s30] =	ssyncadd.s32 $0xFFFFE700  }
0x62: {  	p0 =	sgt.u32 s25, $0x7D;
	_ =	swait.ge [sflag:s30], $0x1900  }
0x63: {  	s9 =	sshll.u32 @!p0 s25, $0x7;
	s16 =	simm.s32 @!p0 $0x32;
	[sflag:s30] =	ssyncset.done $0x0  }
0x64: {  	s17 =	simm.s32 @!p0 $0x10000;
	s10 =	sadd.s32 @!p0 $0x100, s9;
	[sflag:s30] =	ssyncadd.s32 $0xFFFFE700  }
0x65: {  	[tilespmem:s17], [sflag:$0x1] =	stream.indirect.gather @!p0 [hbm4b:s2+s16], $0x80, s10, s16, $0xb8;
	[tilespmem:$0x1A800] =	vst v63  }
0x66: {  	s9 =	sadd.s32 @!p0 $0x4100, s9;
	s10 =	simm.s32 @!p0 $0x11C00;
	s17 =	sshll.u32 s25, $0x7  }
0x67: {  	[tilespmem:s10], [sflag:$0x1] =	stream.indirect.gather @!p0 [hbm4b:s5+s16], $0x80, s9, s16, $0xb8;
	[tilespmem:$0x1A800] =	vst v63  }
0x68: {  	s16 =	sand.u32 $0x3FFFFF80, s17  }
0x69: {  	v6 =	vld [tilespmem:s16+$0x0];
	_ =	sdelay $0x4  }
0x6a: {  	vm0 =	veq.s32 v6, $0x0  }
0x6b: {  	v6 =	vsel vm0, $0x1, v1  }
0x6c: {  	(xrf0) =	vadd.scan.msk.s32 $0xffff, v6;
	_ =	sdelay $0x5  }
0x6d: {  	v6, _, _ =	vpop (xrf0)  }
0x6e: {  	(v2sf) =	vpush v6, $0xF;
	_ =	sdelay $0xe  }
0x6f: {  	s18 =	spop (v2sf)  }
0x70: {  	p0 =	slt.s32 s18, $0x1  }
.Ltmp6:
0x71: {  	_ = 	snop;
	(pc) =	sbr.rel @p0 .LBB2_30-.Ltmp6, $2  }
0x72: {  	_ =	sdelay $0x2  }
0x73: {  	s9 =	simm.s32 $0x0  }
0x74: {  	v6 =	vmov s9  }
0x75: {  	v6 =	vand.u32 $0x7F, v6  }
0x76: {  	v6 =	vbroadcast v6, $0x0;
	_ =	sdelay $0x1  }
0x77: {  	s9 =	sadd.s32 $0x1, s9;
	v6 =	vor.u32 v0, v6  }
.LBB2_28:
0x78: {  	p0 =	sne.s32 s9, $0x7F  }
.Ltmp7:
0x79: {  	v7 =	vmov s9;
	s9 =	sadd.s32 $0x1, s9;
	(pc) =	sbr.rel @p0 .LBB2_28-.Ltmp7, $4  }
0x7a: {  	v7 =	vand.u32 $0x7F, v7  }
0x7b: {  	v7 =	vbroadcast v7, $0x0  }
0x7c: {  	[tilespmem:v6+s24+$0x0] =	vst.idx.msk vm0, v2  }
0x7d: {  	v6 =	vor.u32 v0, v7  }
0x7e: {  	_ =	sdelay $0x4  }
0x7f: {  	[tilespmem:v6+s24+$0x0] =	vst.idx.msk vm0, v2  }
.LBB2_30:
0x80: {  	v6 =	vld [tilespmem:s16+$0x10];
	_ =	sdelay $0x4  }
0x81: {  	vm0 =	veq.s32 v6, $0x0  }
0x82: {  	v6 =	vsel vm0, $0x1, v1  }
0x83: {  	(xrf0) =	vadd.scan.msk.s32 $0xffff, v6;
	_ =	sdelay $0x5  }
0x84: {  	v6, _, _ =	vpop (xrf0)  }
0x85: {  	(v2sf) =	vpush v6, $0xF;
	_ =	sdelay $0xe  }
0x86: {  	s9 =	spop (v2sf)  }
0x87: {  	p0 =	slt.s32 s9, $0x1  }
.Ltmp8:
0x88: {  	_ = 	snop;
	(pc) =	sbr.rel @p0 .LBB2_34-.Ltmp8, $2  }
0x89: {  	_ =	sdelay $0x2  }
0x8a: {  	s9 =	simm.s32 $0x0  }
0x8b: {  	v6 =	vmov s9  }
0x8c: {  	v6 =	vand.u32 $0x7F, v6  }
0x8d: {  	v6 =	vbroadcast v6, $0x0;
	_ =	sdelay $0x1  }
0x8e: {  	s9 =	sadd.s32 $0x1, s9;
	v6 =	vor.u32 v3, v6  }
.LBB2_32:
0x8f: {  	p0 =	sne.s32 s9, $0x7F  }
.Ltmp9:
0x90: {  	v7 =	vmov s9;
	s9 =	sadd.s32 $0x1, s9;
	(pc) =	sbr.rel @p0 .LBB2_32-.Ltmp9, $4  }
0x91: {  	v7 =	vand.u32 $0x7F, v7  }
0x92: {  	v7 =	vbroadcast v7, $0x0  }
0x93: {  	[tilespmem:v6+s24+$0x0] =	vst.idx.msk vm0, v2  }
0x94: {  	v6 =	vor.u32 v3, v7  }
0x95: {  	_ =	sdelay $0x4  }
0x96: {  	[tilespmem:v6+s24+$0x0] =	vst.idx.msk vm0, v2  }
.LBB2_34:
0x97: {  	v6 =	vld [tilespmem:s16+$0x20];
	_ =	sdelay $0x4  }
0x98: {  	vm0 =	veq.s32 v6, $0x0  }
0x99: {  	v6 =	vsel vm0, $0x1, v1  }
0x9a: {  	(xrf0) =	vadd.scan.msk.s32 $0xffff, v6;
	_ =	sdelay $0x5  }
0x9b: {  	v6, _, _ =	vpop (xrf0)  }
0x9c: {  	(v2sf) =	vpush v6, $0xF;
	_ =	sdelay $0xe  }
0x9d: {  	s9 =	spop (v2sf)  }
0x9e: {  	p0 =	slt.s32 s9, $0x1  }
.Ltmp10:
0x9f: {  	_ = 	snop;
	(pc) =	sbr.rel @p0 .LBB2_38-.Ltmp10, $2  }
0xa0: {  	_ =	sdelay $0x2  }
0xa1: {  	s9 =	simm.s32 $0x0  }
0xa2: {  	v6 =	vmov s9  }
0xa3: {  	v6 =	vand.u32 $0x7F, v6  }
0xa4: {  	v6 =	vbroadcast v6, $0x0;
	_ =	sdelay $0x1  }
0xa5: {  	s9 =	sadd.s32 $0x1, s9;
	v6 =	vor.u32 v4, v6  }
.LBB2_36:
0xa6: {  	p0 =	sne.s32 s9, $0x7F  }
.Ltmp11:
0xa7: {  	v7 =	vmov s9;
	s9 =	sadd.s32 $0x1, s9;
	(pc) =	sbr.rel @p0 .LBB2_36-.Ltmp11, $4  }
0xa8: {  	v7 =	vand.u32 $0x7F, v7  }
0xa9: {  	v7 =	vbroadcast v7, $0x0  }
0xaa: {  	[tilespmem:v6+s24+$0x0] =	vst.idx.msk vm0, v2  }
0xab: {  	v6 =	vor.u32 v4, v7  }
0xac: {  	_ =	sdelay $0x4  }
0xad: {  	[tilespmem:v6+s24+$0x0] =	vst.idx.msk vm0, v2  }
.LBB2_38:
0xae: {  	v6 =	vld [tilespmem:s16+$0x22];
	_ =	sdelay $0x4  }
0xaf: {  	vm0 =	veq.s32 v6, $0x0  }
0xb0: {  	v6 =	vsel vm0, $0x1, v1  }
0xb1: {  	(xrf0) =	vadd.scan.msk.s32 $0xffff, v6;
	_ =	sdelay $0x5  }
0xb2: {  	v6, _, _ =	vpop (xrf0)  }
0xb3: {  	(v2sf) =	vpush v6, $0xF;
	_ =	sdelay $0xe  }
0xb4: {  	s9 =	spop (v2sf)  }
0xb5: {  	p0 =	slt.s32 s9, $0x1  }
.Ltmp12:
0xb6: {  	_ = 	snop;
	(pc) =	sbr.rel @p0 .LBB2_39-.Ltmp12, $3  }
0xb7: {  	_ =	sdelay $0x1  }
0xb8: {  	s16 =	simm.s32 $0x16C00  }
0xb9: {  	s17 =	simm.s32 $0x15400;
	s18 =	simm.s32 $0x15000;
	s9 =	simm.s32 $0x0  }
0xba: {  	v6 =	vmov s9  }
0xbb: {  	v6 =	vand.u32 $0x7F, v6  }
0xbc: {  	v6 =	vbroadcast v6, $0x0;
	_ =	sdelay $0x1  }
0xbd: {  	s10 =	sadd.s32 $0x1, s9;
	v6 =	vor.u32 v5, v6  }
.LBB2_41:
0xbe: {  	p0 =	seq.s32 s10, $0x7F  }
.Ltmp13:
0xbf: {  	v7 =	vmov s10;
	s10 =	sadd.s32 $0x1, s10;
	(pc) =	sbr.rel @!p0 .LBB2_41-.Ltmp13, $4  }
0xc0: {  	v7 =	vand.u32 $0x7F, v7  }
0xc1: {  	s9 =	simm.s32 $0x13800;
	v7 =	vbroadcast v7, $0x0  }
0xc2: {  	[tilespmem:v6+s9+$0x0] =	vst.idx.msk vm0, v2  }
0xc3: {  	v6 =	vor.u32 v5, v7  }
0xc4: {  	_ = 	snop  }
.Ltmp14:
0xc5: {  	_ = 	snop;
	(pc) =	sbr.rel .LBB2_65-.Ltmp14, $2  }
0xc6: {  	_ =	sdelay $0x2  }
0xc7: {  	[tilespmem:v6+s9+$0x0] =	vst.idx.msk vm0, v2  }
.LBB2_43:
0xc8: {  	s9 =	simm.s32 @!p0 $0x1  }
0xc9: {  	_ =	swait.ge @!p0 [sflag:s9], $0x1900  }
0xca: {  	[sflag:s9] =	ssyncset.done @!p0 $0x0  }
0xcb: {  	p1 =	seq.s32 @!p0 s25, $0x0;
	[sflag:s9] =	ssyncadd.s32 @!p0 $0xFFFFE700  }
0xcc: {  	p1 =	por p0, !p1;
	_ =	swait.ge @!p0 [sflag:s9], $0x1900  }
.Ltmp15:
0xcd: {  	s10 =	simm.s32 @!p0 $0x32;
	[sflag:s9] =	ssyncset.done @!p0 $0x0;
	(pc) =	sbr.rel @!p1 .LBB2_44-.Ltmp15, $4  }
0xce: {  	s17 =	simm.s32 @!p0 $0x11C00;
	[sflag:s9] =	ssyncadd.s32 @!p0 $0xFFFFE700;
	s9 =	sadd.s32 @!p0 $0x8080, s16  }
0xcf: {  	[tilespmem:s17], [sflag:$0x2] =	stream.indirect.gather.add.f32 @!p0 [hbm:s6], $0x80, s9, s10, $0xb8;
	[tilespmem:$0x1A800] =	vst v63  }
0xd0: {  	s9 =	sadd.s32 @!p0 $0xC080, s16  }
0xd1: {  	[tilespmem:s17], [sflag:$0x2] =	stream.indirect.gather.add.f32 @!p0 [hbm:s7], $0x80, s9, s10, $0xb8;
	[tilespmem:$0x1A800] =	vst v63  }
0xd2: {  	_ =	swait.ge [sflag:s30], $0x1900;
	p0 =	sgt.u32 s25, $0x7D  }
.Ltmp16:
0xd3: {  	[sflag:s30] =	ssyncset.done $0x0;
	(pc) =	sbr.rel @p0 .LBB2_48-.Ltmp16, $4  }
0xd4: {  	[sflag:s30] =	ssyncadd.s32 $0xFFFFE700  }
0xd5: {  	_ =	swait.ge [sflag:s30], $0x1900  }
0xd6: {  	[sflag:s30] =	ssyncset.done $0x0  }
0xd7: {  	[sflag:s30] =	ssyncadd.s32 $0xFFFFE700  }
.Ltmp17:
0xd8: {  	(pc) =	sbr.rel .LBB2_47-.Ltmp17, $3  }
0xd9: {  	_ =	sdelay $0x1  }
0xda: {  	s9 =	sshll.u32 s25, $0x7  }
0xdb: {  	s9 =	sadd.s32 $0x100, s9  }
.LBB2_4:
0xdc: {  	s9 =	simm.s32 @!p0 $0x1  }
0xdd: {  	_ =	swait.ge @!p0 [sflag:s9], $0x1900  }
0xde: {  	[sflag:s9] =	ssyncset.done @!p0 $0x0  }
0xdf: {  	p1 =	seq.s32 @!p0 s25, $0x0;
	[sflag:s9] =	ssyncadd.s32 @!p0 $0xFFFFE700  }
0xe0: {  	p1 =	por p0, !p1;
	_ =	swait.ge @!p0 [sflag:s9], $0x1900  }
.Ltmp18:
0xe1: {  	s10 =	simm.s32 @!p0 $0x32;
	[sflag:s9] =	ssyncset.done @!p0 $0x0;
	(pc) =	sbr.rel @!p1 .LBB2_5-.Ltmp18, $4  }
0xe2: {  	s17 =	simm.s32 @!p0 $0x15400;
	[sflag:s9] =	ssyncadd.s32 @!p0 $0xFFFFE700;
	s9 =	sadd.s32 @!p0 $0x8080, s16  }
0xe3: {  	[tilespmem:s17], [sflag:$0x2] =	stream.indirect.gather.add.f32 @!p0 [hbm:s6], $0x80, s9, s10, $0xb8;
	[tilespmem:$0x1A800] =	vst v63  }
0xe4: {  	s9 =	sadd.s32 @!p0 $0xC080, s16  }
0xe5: {  	[tilespmem:s17], [sflag:$0x2] =	stream.indirect.gather.add.f32 @!p0 [hbm:s7], $0x80, s9, s10, $0xb8;
	[tilespmem:$0x1A800] =	vst v63  }
0xe6: {  	_ =	swait.ge [sflag:s30], $0x1900;
	p0 =	sgt.u32 s25, $0x7D  }
.Ltmp19:
0xe7: {  	[sflag:s30] =	ssyncset.done $0x0;
	(pc) =	sbr.rel @p0 .LBB2_9-.Ltmp19, $4  }
0xe8: {  	[sflag:s30] =	ssyncadd.s32 $0xFFFFE700  }
0xe9: {  	_ =	swait.ge [sflag:s30], $0x1900  }
0xea: {  	[sflag:s30] =	ssyncset.done $0x0  }
0xeb: {  	[sflag:s30] =	ssyncadd.s32 $0xFFFFE700  }
.Ltmp20:
0xec: {  	(pc) =	sbr.rel .LBB2_8-.Ltmp20, $3  }
0xed: {  	_ =	sdelay $0x1  }
0xee: {  	s9 =	sshll.u32 s25, $0x7  }
0xef: {  	s9 =	sadd.s32 $0x100, s9  }
.LBB2_44:
0xf0: {  	s9 =	simm.s32 @!p0 $0x100  }
.LBB2_47:
0xf1: {  	[tilespmem:s24], [sflag:$0x1] =	stream.indirect.gather [hbm4b:s2+s19], $0x80, s9, s19, $0xb8;
	[tilespmem:$0x1A800] =	vst v63  }
0xf2: {  	s18 =	sadd.s32 $0x4000, s9  }
0xf3: {  	[tilespmem:s26], [sflag:$0x1] =	stream.indirect.gather [hbm4b:s5+s19], $0x80, s18, s19, $0xb8;
	[tilespmem:$0x1A800] =	vst v63  }
.LBB2_48:
0xf4: {  	s9 =	sshll.u32 s25, $0x7  }
0xf5: {  	s16 =	sand.u32 $0x3FFFFF80, s9  }
0xf6: {  	v6 =	vld [tilespmem:s16+$0x0];
	_ =	sdelay $0x4  }
0xf7: {  	vm0 =	veq.s32 v6, $0x0  }
0xf8: {  	v6 =	vsel vm0, $0x1, v1  }
0xf9: {  	(xrf0) =	vadd.scan.msk.s32 $0xffff, v6;
	_ =	sdelay $0x5  }
0xfa: {  	v6, _, _ =	vpop (xrf0)  }
0xfb: {  	(v2sf) =	vpush v6, $0xF;
	_ =	sdelay $0xe  }
0xfc: {  	s18 =	spop (v2sf)  }
0xfd: {  	p0 =	slt.s32 s18, $0x1  }
.Ltmp21:
0xfe: {  	_ = 	snop;
	(pc) =	sbr.rel @p0 .LBB2_52-.Ltmp21, $2  }
0xff: {  	_ =	sdelay $0x2  }
0x100: {  	s9 =	simm.s32 $0x0  }
0x101: {  	v6 =	vmov s9  }
0x102: {  	v6 =	vand.u32 $0x7F, v6  }
0x103: {  	v6 =	vbroadcast v6, $0x0;
	_ =	sdelay $0x1  }
0x104: {  	s9 =	sadd.s32 $0x1, s9;
	v6 =	vor.u32 v0, v6  }
.LBB2_50:
0x105: {  	p0 =	sne.s32 s9, $0x7F  }
.Ltmp22:
0x106: {  	v7 =	vmov s9;
	s9 =	sadd.s32 $0x1, s9;
	(pc) =	sbr.rel @p0 .LBB2_50-.Ltmp22, $4  }
0x107: {  	v7 =	vand.u32 $0x7F, v7  }
0x108: {  	v7 =	vbroadcast v7, $0x0  }
0x109: {  	[tilespmem:v6+s29+$0x0] =	vst.idx.msk vm0, v2  }
0x10a: {  	v6 =	vor.u32 v0, v7  }
0x10b: {  	_ =	sdelay $0x4  }
0x10c: {  	[tilespmem:v6+s29+$0x0] =	vst.idx.msk vm0, v2  }
.LBB2_52:
0x10d: {  	v6 =	vld [tilespmem:s16+$0x10];
	_ =	sdelay $0x4  }
0x10e: {  	vm0 =	veq.s32 v6, $0x0  }
0x10f: {  	v6 =	vsel vm0, $0x1, v1  }
0x110: {  	(xrf0) =	vadd.scan.msk.s32 $0xffff, v6;
	_ =	sdelay $0x5  }
0x111: {  	v6, _, _ =	vpop (xrf0)  }
0x112: {  	(v2sf) =	vpush v6, $0xF;
	_ =	sdelay $0xe  }
0x113: {  	s9 =	spop (v2sf)  }
0x114: {  	p0 =	slt.s32 s9, $0x1  }
.Ltmp23:
0x115: {  	_ = 	snop;
	(pc) =	sbr.rel @p0 .LBB2_56-.Ltmp23, $2  }
0x116: {  	_ =	sdelay $0x2  }
0x117: {  	s9 =	simm.s32 $0x0  }
0x118: {  	v6 =	vmov s9  }
0x119: {  	v6 =	vand.u32 $0x7F, v6  }
0x11a: {  	v6 =	vbroadcast v6, $0x0;
	_ =	sdelay $0x1  }
0x11b: {  	s9 =	sadd.s32 $0x1, s9;
	v6 =	vor.u32 v3, v6  }
.LBB2_54:
0x11c: {  	p0 =	sne.s32 s9, $0x7F  }
.Ltmp24:
0x11d: {  	v7 =	vmov s9;
	s9 =	sadd.s32 $0x1, s9;
	(pc) =	sbr.rel @p0 .LBB2_54-.Ltmp24, $4  }
0x11e: {  	v7 =	vand.u32 $0x7F, v7  }
0x11f: {  	v7 =	vbroadcast v7, $0x0  }
0x120: {  	[tilespmem:v6+s29+$0x0] =	vst.idx.msk vm0, v2  }
0x121: {  	v6 =	vor.u32 v3, v7  }
0x122: {  	_ =	sdelay $0x4  }
0x123: {  	[tilespmem:v6+s29+$0x0] =	vst.idx.msk vm0, v2  }
.LBB2_56:
0x124: {  	v6 =	vld [tilespmem:s16+$0x20];
	_ =	sdelay $0x4  }
0x125: {  	vm0 =	veq.s32 v6, $0x0  }
0x126: {  	v6 =	vsel vm0, $0x1, v1  }
0x127: {  	(xrf0) =	vadd.scan.msk.s32 $0xffff, v6;
	_ =	sdelay $0x5  }
0x128: {  	v6, _, _ =	vpop (xrf0)  }
0x129: {  	(v2sf) =	vpush v6, $0xF;
	_ =	sdelay $0xe  }
0x12a: {  	s9 =	spop (v2sf)  }
0x12b: {  	p0 =	slt.s32 s9, $0x1  }
.Ltmp25:
0x12c: {  	_ = 	snop;
	(pc) =	sbr.rel @p0 .LBB2_60-.Ltmp25, $2  }
0x12d: {  	_ =	sdelay $0x2  }
0x12e: {  	s9 =	simm.s32 $0x0  }
0x12f: {  	v6 =	vmov s9  }
0x130: {  	v6 =	vand.u32 $0x7F, v6  }
0x131: {  	v6 =	vbroadcast v6, $0x0;
	_ =	sdelay $0x1  }
0x132: {  	s9 =	sadd.s32 $0x1, s9;
	v6 =	vor.u32 v4, v6  }
.LBB2_58:
0x133: {  	p0 =	sne.s32 s9, $0x7F  }
.Ltmp26:
0x134: {  	v7 =	vmov s9;
	s9 =	sadd.s32 $0x1, s9;
	(pc) =	sbr.rel @p0 .LBB2_58-.Ltmp26, $4  }
0x135: {  	v7 =	vand.u32 $0x7F, v7  }
0x136: {  	v7 =	vbroadcast v7, $0x0  }
0x137: {  	[tilespmem:v6+s29+$0x0] =	vst.idx.msk vm0, v2  }
0x138: {  	v6 =	vor.u32 v4, v7  }
0x139: {  	_ =	sdelay $0x4  }
0x13a: {  	[tilespmem:v6+s29+$0x0] =	vst.idx.msk vm0, v2  }
.LBB2_60:
0x13b: {  	v6 =	vld [tilespmem:s16+$0x22];
	_ =	sdelay $0x4  }
0x13c: {  	vm0 =	veq.s32 v6, $0x0  }
0x13d: {  	v6 =	vsel vm0, $0x1, v1  }
0x13e: {  	(xrf0) =	vadd.scan.msk.s32 $0xffff, v6;
	_ =	sdelay $0x5  }
0x13f: {  	v6, _, _ =	vpop (xrf0)  }
0x140: {  	(v2sf) =	vpush v6, $0xF;
	_ =	sdelay $0xe  }
0x141: {  	s9 =	spop (v2sf)  }
0x142: {  	p0 =	slt.s32 s9, $0x1  }
.Ltmp27:
0x143: {  	_ = 	snop;
	(pc) =	sbr.rel @p0 .LBB2_61-.Ltmp27, $3  }
0x144: {  	_ =	sdelay $0x1  }
0x145: {  	s16 =	simm.s32 $0x1A400  }
0x146: {  	s17 =	simm.s32 $0x18C00;
	s18 =	simm.s32 $0x18800;
	s9 =	simm.s32 $0x0  }
0x147: {  	v6 =	vmov s9  }
0x148: {  	v6 =	vand.u32 $0x7F, v6  }
0x149: {  	v6 =	vbroadcast v6, $0x0;
	_ =	sdelay $0x1  }
0x14a: {  	s10 =	sadd.s32 $0x1, s9;
	v6 =	vor.u32 v5, v6  }
.LBB2_63:
0x14b: {  	p0 =	seq.s32 s10, $0x7F  }
.Ltmp28:
0x14c: {  	v7 =	vmov s10;
	s10 =	sadd.s32 $0x1, s10;
	(pc) =	sbr.rel @!p0 .LBB2_63-.Ltmp28, $4  }
0x14d: {  	v7 =	vand.u32 $0x7F, v7  }
0x14e: {  	s9 =	simm.s32 $0x17000;
	v7 =	vbroadcast v7, $0x0  }
0x14f: {  	[tilespmem:v6+s9+$0x0] =	vst.idx.msk vm0, v2  }
0x150: {  	v6 =	vor.u32 v5, v7  }
0x151: {  	_ = 	snop  }
.Ltmp29:
0x152: {  	_ = 	snop;
	(pc) =	sbr.rel .LBB2_65-.Ltmp29, $2  }
0x153: {  	_ =	sdelay $0x2  }
0x154: {  	[tilespmem:v6+s9+$0x0] =	vst.idx.msk vm0, v2  }
.LBB2_61:
.Ltmp30:
0x155: {  	(pc) =	sbr.rel .LBB2_65-.Ltmp30, $2  }
0x156: {  	_ =	sdelay $0x2  }
0x157: {  	s9 =	simm.s32 $0x17000  }
.LBB2_5:
0x158: {  	s9 =	simm.s32 @!p0 $0x100  }
.LBB2_8:
0x159: {  	[tilespmem:s29], [sflag:$0x1] =	stream.indirect.gather [hbm4b:s2+s19], $0x80, s9, s19, $0xb8;
	[tilespmem:$0x1A800] =	vst v63  }
0x15a: {  	s18 =	sadd.s32 $0x4000, s9  }
0x15b: {  	[tilespmem:s1], [sflag:$0x1] =	stream.indirect.gather [hbm4b:s5+s19], $0x80, s18, s19, $0xb8;
	[tilespmem:$0x1A800] =	vst v63  }
.LBB2_9:
0x15c: {  	s9 =	sshll.u32 s25, $0x7  }
0x15d: {  	s16 =	sand.u32 $0x3FFFFF80, s9  }
0x15e: {  	v6 =	vld [tilespmem:s16+$0x0];
	_ =	sdelay $0x4  }
0x15f: {  	vm0 =	veq.s32 v6, $0x0  }
0x160: {  	v6 =	vsel vm0, $0x1, v1  }
0x161: {  	(xrf0) =	vadd.scan.msk.s32 $0xffff, v6;
	_ =	sdelay $0x5  }
0x162: {  	v6, _, _ =	vpop (xrf0)  }
0x163: {  	(v2sf) =	vpush v6, $0xF;
	_ =	sdelay $0xe  }
0x164: {  	s18 =	spop (v2sf)  }
0x165: {  	p0 =	slt.s32 s18, $0x1  }
.Ltmp31:
0x166: {  	_ = 	snop;
	(pc) =	sbr.rel @p0 .LBB2_13-.Ltmp31, $2  }
0x167: {  	_ =	sdelay $0x2  }
0x168: {  	s9 =	simm.s32 $0x0  }
0x169: {  	v6 =	vmov s9  }
0x16a: {  	v6 =	vand.u32 $0x7F, v6  }
0x16b: {  	v6 =	vbroadcast v6, $0x0;
	_ =	sdelay $0x1  }
0x16c: {  	s9 =	sadd.s32 $0x1, s9;
	v6 =	vor.u32 v0, v6  }
.LBB2_11:
0x16d: {  	p0 =	sne.s32 s9, $0x7F  }
.Ltmp32:
0x16e: {  	v7 =	vmov s9;
	s9 =	sadd.s32 $0x1, s9;
	(pc) =	sbr.rel @p0 .LBB2_11-.Ltmp32, $4  }
0x16f: {  	v7 =	vand.u32 $0x7F, v7  }
0x170: {  	v7 =	vbroadcast v7, $0x0  }
0x171: {  	[tilespmem:v6+s20+$0x0] =	vst.idx.msk vm0, v2  }
0x172: {  	v6 =	vor.u32 v0, v7  }
0x173: {  	_ =	sdelay $0x4  }
0x174: {  	[tilespmem:v6+s20+$0x0] =	vst.idx.msk vm0, v2  }
.LBB2_13:
0x175: {  	v6 =	vld [tilespmem:s16+$0x10];
	_ =	sdelay $0x4  }
0x176: {  	vm0 =	veq.s32 v6, $0x0  }
0x177: {  	v6 =	vsel vm0, $0x1, v1  }
0x178: {  	(xrf0) =	vadd.scan.msk.s32 $0xffff, v6;
	_ =	sdelay $0x5  }
0x179: {  	v6, _, _ =	vpop (xrf0)  }
0x17a: {  	(v2sf) =	vpush v6, $0xF;
	_ =	sdelay $0xe  }
0x17b: {  	s9 =	spop (v2sf)  }
0x17c: {  	p0 =	slt.s32 s9, $0x1  }
.Ltmp33:
0x17d: {  	_ = 	snop;
	(pc) =	sbr.rel @p0 .LBB2_17-.Ltmp33, $2  }
0x17e: {  	_ =	sdelay $0x2  }
0x17f: {  	s9 =	simm.s32 $0x0  }
0x180: {  	v6 =	vmov s9  }
0x181: {  	v6 =	vand.u32 $0x7F, v6  }
0x182: {  	v6 =	vbroadcast v6, $0x0;
	_ =	sdelay $0x1  }
0x183: {  	s9 =	sadd.s32 $0x1, s9;
	v6 =	vor.u32 v3, v6  }
.LBB2_15:
0x184: {  	p0 =	sne.s32 s9, $0x7F  }
.Ltmp34:
0x185: {  	v7 =	vmov s9;
	s9 =	sadd.s32 $0x1, s9;
	(pc) =	sbr.rel @p0 .LBB2_15-.Ltmp34, $4  }
0x186: {  	v7 =	vand.u32 $0x7F, v7  }
0x187: {  	v7 =	vbroadcast v7, $0x0  }
0x188: {  	[tilespmem:v6+s20+$0x0] =	vst.idx.msk vm0, v2  }
0x189: {  	v6 =	vor.u32 v3, v7  }
0x18a: {  	_ =	sdelay $0x4  }
0x18b: {  	[tilespmem:v6+s20+$0x0] =	vst.idx.msk vm0, v2  }
.LBB2_17:
0x18c: {  	v6 =	vld [tilespmem:s16+$0x20];
	_ =	sdelay $0x4  }
0x18d: {  	vm0 =	veq.s32 v6, $0x0  }
0x18e: {  	v6 =	vsel vm0, $0x1, v1  }
0x18f: {  	(xrf0) =	vadd.scan.msk.s32 $0xffff, v6;
	_ =	sdelay $0x5  }
0x190: {  	v6, _, _ =	vpop (xrf0)  }
0x191: {  	(v2sf) =	vpush v6, $0xF;
	_ =	sdelay $0xe  }
0x192: {  	s9 =	spop (v2sf)  }
0x193: {  	p0 =	slt.s32 s9, $0x1  }
.Ltmp35:
0x194: {  	_ = 	snop;
	(pc) =	sbr.rel @p0 .LBB2_21-.Ltmp35, $2  }
0x195: {  	_ =	sdelay $0x2  }
0x196: {  	s9 =	simm.s32 $0x0  }
0x197: {  	v6 =	vmov s9  }
0x198: {  	v6 =	vand.u32 $0x7F, v6  }
0x199: {  	v6 =	vbroadcast v6, $0x0;
	_ =	sdelay $0x1  }
0x19a: {  	s9 =	sadd.s32 $0x1, s9;
	v6 =	vor.u32 v4, v6  }
.LBB2_19:
0x19b: {  	p0 =	sne.s32 s9, $0x7F  }
.Ltmp36:
0x19c: {  	v7 =	vmov s9;
	s9 =	sadd.s32 $0x1, s9;
	(pc) =	sbr.rel @p0 .LBB2_19-.Ltmp36, $4  }
0x19d: {  	v7 =	vand.u32 $0x7F, v7  }
0x19e: {  	v7 =	vbroadcast v7, $0x0  }
0x19f: {  	[tilespmem:v6+s20+$0x0] =	vst.idx.msk vm0, v2  }
0x1a0: {  	v6 =	vor.u32 v4, v7  }
0x1a1: {  	_ =	sdelay $0x4  }
0x1a2: {  	[tilespmem:v6+s20+$0x0] =	vst.idx.msk vm0, v2  }
.LBB2_21:
0x1a3: {  	v6 =	vld [tilespmem:s16+$0x22];
	_ =	sdelay $0x4  }
0x1a4: {  	vm0 =	veq.s32 v6, $0x0  }
0x1a5: {  	v6 =	vsel vm0, $0x1, v1  }
0x1a6: {  	(xrf0) =	vadd.scan.msk.s32 $0xffff, v6;
	_ =	sdelay $0x5  }
0x1a7: {  	v6, _, _ =	vpop (xrf0)  }
0x1a8: {  	(v2sf) =	vpush v6, $0xF;
	_ =	sdelay $0xe  }
0x1a9: {  	s9 =	spop (v2sf)  }
0x1aa: {  	p0 =	slt.s32 s9, $0x1  }
.Ltmp37:
0x1ab: {  	_ = 	snop;
	(pc) =	sbr.rel @p0 .LBB2_22-.Ltmp37, $3  }
0x1ac: {  	_ =	sdelay $0x1  }
0x1ad: {  	s16 =	simm.s32 $0x13400  }
0x1ae: {  	s17 =	simm.s32 $0x11C00;
	s18 =	simm.s32 $0x11800;
	s9 =	simm.s32 $0x0  }
0x1af: {  	v6 =	vmov s9  }
0x1b0: {  	v6 =	vand.u32 $0x7F, v6  }
0x1b1: {  	v6 =	vbroadcast v6, $0x0;
	_ =	sdelay $0x1  }
0x1b2: {  	s10 =	sadd.s32 $0x1, s9;
	v6 =	vor.u32 v5, v6  }
.LBB2_24:
0x1b3: {  	p0 =	seq.s32 s10, $0x7F  }
.Ltmp38:
0x1b4: {  	v7 =	vmov s10;
	s10 =	sadd.s32 $0x1, s10;
	(pc) =	sbr.rel @!p0 .LBB2_24-.Ltmp38, $4  }
0x1b5: {  	v7 =	vand.u32 $0x7F, v7  }
0x1b6: {  	s9 =	simm.s32 $0x10000;
	v7 =	vbroadcast v7, $0x0  }
0x1b7: {  	[tilespmem:v6+s9+$0x0] =	vst.idx.msk vm0, v2  }
0x1b8: {  	v6 =	vor.u32 v5, v7  }
0x1b9: {  	_ = 	snop  }
.Ltmp39:
0x1ba: {  	_ = 	snop;
	(pc) =	sbr.rel .LBB2_65-.Ltmp39, $2  }
0x1bb: {  	_ =	sdelay $0x2  }
0x1bc: {  	[tilespmem:v6+s9+$0x0] =	vst.idx.msk vm0, v2  }
.LBB2_22:
.Ltmp40:
0x1bd: {  	(pc) =	sbr.rel .LBB2_65-.Ltmp40, $2  }
0x1be: {  	_ =	sdelay $0x2  }
0x1bf: {  	s9 =	simm.s32 $0x10000  }
.LBB2_67:
0x1c0: {  	_ =	sfence.sel $0x180000  }
0x1c1: {  	[bflag:$0x0] =	sbarrier.arrive $0xFFFF  }
0x1c2: {  	_ =	strace $0x90000047  }
0x1c3: {  	s0 =	stileid.u32;
	[bflag:$0x2] =	sbarrier.arrive $0xFFFF  }
0x1c4: {  	p0 =	sne.s32 s0, $0x0;
	s0 =	rddreg [dreg:$0x2]  }
0x1c5: {  	s0 =	sadd.s32 @!p0 $0x100000, s0  }
0x1c6: {  	[sflag:s0] =	ssyncadd.tile.s32 @!p0 $0x1;
	_ =	shalt  }
.Lfunc_end2:
_tile_overlayer_lowered:
.L_overlay_start_2:
0x1c7: {  	(tag) =	ssettag $0x2  }
0x1c8: {  	s0 =	rddreg [dreg:$0x0];
	s2 =	stileid.u32  }
0x1c9: {  	s1 =	rddreg [dreg:$0x1];
	p0 =	sne.s32 s2, $0x0  }
0x1ca: {  	s3 =	rddreg [dreg:$0x2];
	[bflag:$0x3] =	sbarrier.arrive $0xFFFF;
	s2 =	simm.s32 @!p0 $0x1C04  }
0x1cb: {  	[timem:s3], [sflag:s2] =	dma.local @!p0 [hbm:s0], s1  }
0x1cc: {  	s0 =	simm.s32 @!p0 $0x4  }
0x1cd: {  	_ =	swait.ge @!p0 [sflag:s0], s1  }
0x1ce: {  	s1 =	ssub.s32 @!p0 $0x0, s1;
	[sflag:s0] =	ssyncset.done @!p0 $0x0  }
0x1cf: {  	[sflag:s0] =	ssyncadd.s32 @!p0 s1  }
0x1d0: {  	[bflag:$0x3] =	sbarrier.arrive $0xFFFF  }
0x1d1: {  	_ =	shalt  }

</sc_bundles>
